<compile_context>
chip_gen: v7x
topology: tpu7x:2x2x1
jax: 0.10.2.dev20260603
libtpu: 0.0.44.dev20260713+nightly
codegen_flags: <defaults>
</compile_context>

<pallas_src>
import functools
import math

import jax
import jax.numpy as jnp
from jax import lax
from jax.experimental import pallas as pl
from jax.experimental.pallas import tpu as pltpu
from jax.experimental.pallas import tpu_sc as plsc

D = 32
V = 1000000
SCALE = math.sqrt(D)

_NC = 2
_NS = 16
_NW = _NC * _NS
_FULL_BLOCKS = 7812
_CNT = 246


def _iota16():
    return lax.iota(jnp.int32, 16)


def _make_repack():
    mesh = plsc.VectorSubcoreMesh(core_axis_name="c", subcore_axis_name="s")

    @functools.partial(
        pl.kernel,
        out_type=jax.ShapeDtypeStruct((V // 4, 128), jnp.float32),
        mesh=mesh,
        scratch_types=[
            pltpu.VMEM((32, 128), jnp.float32),
            pltpu.VMEM((32, 128), jnp.float32),
            pltpu.VMEM((32, 128), jnp.float32),
            pltpu.VMEM((32, 128), jnp.float32),
            pltpu.SemaphoreType.DMA,
            pltpu.SemaphoreType.DMA,
            pltpu.SemaphoreType.DMA,
            pltpu.SemaphoreType.DMA,
        ],
        compiler_params=pltpu.CompilerParams(
            use_tc_tiling_on_sc=True, needs_layout_passes=False
        ),
    )
    def repack(tabT_hbm, tail_hbm, packed_hbm, s0, s1, p0, p1, si0, si1, so0, so1):
        wid = lax.axis_index("s") * _NC + lax.axis_index("c")
        base = wid * 244 + jnp.minimum(wid, 5)
        s_v = (s0, s1)
        p_v = (p0, p1)
        sem_i = (si0, si1)
        sem_o = (so0, so1)
        it16 = _iota16()
        rows01 = (it16, it16 + 16)

        def blkid(i):
            return jnp.minimum(base + i, _FULL_BLOCKS - 1)

        def in_copy(i, p):
            v0 = pl.multiple_of(blkid(i) * 128, 128)
            return pltpu.make_async_copy(
                tabT_hbm.at[:, pl.ds(v0, 128)], s_v[p], sem_i[p]
            )

        def out_copy(i, p):
            p0_ = pl.multiple_of(blkid(i) * 32, 32)
            return pltpu.make_async_copy(
                p_v[p], packed_hbm.at[pl.ds(p0_, 32)], sem_o[p]
            )

        in_copy(0, 0).start()
        in_copy(1, 1).start()

        def pair(itn, _):
            for p in (0, 1):
                i = itn * 2 + p
                in_copy(i, p).wait()

                @pl.when(itn >= 1)
                def _wait_out():
                    out_copy(i - 2, p).wait()

                @functools.partial(plsc.parallel_loop, 0, 32, unroll=4)
                def _row(r):
                    for g in range(8):
                        cols = jnp.full((16,), 0, jnp.int32) + (4 * r + g // 2)
                        val = plsc.load_gather(s_v[p], [rows01[g % 2], cols])
                        p_v[p][r, pl.ds(16 * g, 16)] = val * SCALE

                out_copy(i, p).start()

                @pl.when(i + 2 < _CNT)
                def _prefetch():
                    in_copy(i + 2, p).start()

            return 0

        lax.fori_loop(0, _CNT // 2, pair, 0)
        out_copy(_CNT - 2, 0).wait()
        out_copy(_CNT - 1, 1).wait()

        @pl.when(wid == _NW - 1)
        def _tail():
            pltpu.sync_copy(tail_hbm, p0.at[pl.ds(0, 16)])
            pltpu.sync_copy(
                p0.at[pl.ds(0, 16)],
                packed_hbm.at[pl.ds(_FULL_BLOCKS * 32, 16)],
            )

    return repack


def _make_lookup():
    mesh = plsc.VectorSubcoreMesh(core_axis_name="c", subcore_axis_name="s")

    @functools.partial(
        pl.kernel,
        out_type=jax.ShapeDtypeStruct((200, D, 4096), jnp.float32),
        mesh=mesh,
        scratch_types=[
            pltpu.VMEM((200, 128), jnp.int32),
            pltpu.VMEM((128,), jnp.int32),
            pltpu.VMEM((128,), jnp.int32),
            pltpu.VMEM((128, 128), jnp.float32),
            pltpu.VMEM((128, 128), jnp.float32),
            pltpu.VMEM((32, 128), jnp.float32),
            pltpu.VMEM((32, 128), jnp.float32),
            pltpu.SemaphoreType.DMA,
            pltpu.SemaphoreType.DMA,
            pltpu.SemaphoreType.DMA,
            pltpu.SemaphoreType.DMA,
        ],
        compiler_params=pltpu.CompilerParams(
            use_tc_tiling_on_sc=True, needs_layout_passes=False
        ),
    )
    def lookup(
        xT_hbm, packed_hbm, out_hbm,
        xidx, jr0, jr1, g0, g1, o0, o1, sg0, sg1, soo0, soo1,
    ):
        wid = lax.axis_index("s") * _NC + lax.axis_index("c")
        lane0 = wid * 128
        jrs = (jr0, jr1)
        g_v = (g0, g1)
        o_v = (o0, o1)
        sem_g = (sg0, sg1)
        sem_o = (soo0, soo1)
        it16 = _iota16()
        rowsg = [it16 + 16 * g for g in range(8)]

        pltpu.sync_copy(xT_hbm.at[:, pl.ds(lane0, 128)], xidx)

        def prep(s, p):
            for g in range(8):
                v = xidx[s, pl.ds(16 * g, 16)]
                jrs[p][pl.ds(16 * g, 16)] = lax.shift_right_logical(v, 2)

        def gcopy(p):
            return pltpu.make_async_copy(
                packed_hbm.at[jrs[p]], g_v[p], sem_g[p]
            )

        def ocopy(s, p):
            return pltpu.make_async_copy(
                o_v[p], out_hbm.at[s, :, pl.ds(lane0, 128)], sem_o[p]
            )

        prep(0, 0)
        gcopy(0).start()
        prep(1, 1)
        gcopy(1).start()

        def pair(itn, _):
            for p in (0, 1):
                s = itn * 2 + p
                gcopy(p).wait()

                @pl.when(itn >= 1)
                def _wait_out():
                    ocopy(s - 2, p).wait()

                koffs = [
                    lax.shift_left(
                        jnp.bitwise_and(xidx[s, pl.ds(16 * g, 16)], 3), 5
                    )
                    for g in range(8)
                ]

                @functools.partial(plsc.parallel_loop, 0, D, unroll=4)
                def _d(d):
                    for g in range(8):
                        o_v[p][d, pl.ds(16 * g, 16)] = plsc.load_gather(
                            g_v[p], [rowsg[g], koffs[g] + d]
                        )

                ocopy(s, p).start()

                @pl.when(itn < 99)
                def _prefetch():
                    prep(s + 2, p)
                    gcopy(p).start()

            return 0

        lax.fori_loop(0, 100, pair, 0)
        ocopy(198, 0).wait()
        ocopy(199, 1).wait()

    return lookup


def kernel(x, table):
    xT = x.T
    tabT = table.T
    tail = (table[_FULL_BLOCKS * 128 :, :] * SCALE).reshape(16, 128)
    packed = _make_repack()(tabT, tail)
    outP = _make_lookup()(xT, packed)
    return outP.transpose(2, 0, 1)

# --- scband reference (transcript-rebuilt; emitter-appended) ---
"""Pipeline reference for scband-embeddings-39144331936251 (READ-ONLY COPY).

The authoritative reference and input builder live on the scoring server;
editing this copy changes nothing except your own understanding.
"""

import jax, jax.numpy as jnp
import numpy as np
import math

D_MODEL = 32
VOCAB = 1000000
BATCH = 4096
SEQ = 200

def setup_inputs(seed: int = 0) -> dict:
    key = jax.random.key(seed)
    k_idx, k_tab = jax.random.split(key)
    x = jax.random.randint(k_idx, (BATCH, SEQ), 0, VOCAB, dtype=jnp.int64 if jax.config.jax_enable_x64 else jnp.int32)
    table = jax.random.normal(k_tab, (VOCAB, D_MODEL), dtype=jnp.float32)
    return {"x": x, "table": table}

def reference(x, table):
    # Embeddings.forward: self.lat(x) * sqrt(d_model)
    emb = jnp.take(table, x, axis=0)
    return emb * math.sqrt(D_MODEL)

if __name__ == "__main__":
    import jax
    _d = setup_inputs()
    print(jax.jit(kernel)(*tuple(_d.values())))

</pallas_src>

<mosaic_0001>
#map = affine_map<(d0, d1) -> (0, 0)>
module attributes {stable_mosaic.version = 14 : i64} {
  func.func @repack(%arg0: i32, %arg1: i32, %arg2: memref<32x1000000xf32, #tpu.memory_space<hbm>>, %arg3: memref<16x128xf32, #tpu.memory_space<hbm>>, %arg4: memref<250000x128xf32, #tpu.memory_space<hbm>>, %arg5: memref<32x128xf32, #tpu.memory_space<vmem>>, %arg6: memref<32x128xf32, #tpu.memory_space<vmem>>, %arg7: memref<32x128xf32, #tpu.memory_space<vmem>>, %arg8: memref<32x128xf32, #tpu.memory_space<vmem>>, %arg9: memref<!tpu.dma_semaphore, #tpu.memory_space<semaphore_mem>>, %arg10: memref<!tpu.dma_semaphore, #tpu.memory_space<semaphore_mem>>, %arg11: memref<!tpu.dma_semaphore, #tpu.memory_space<semaphore_mem>>, %arg12: memref<!tpu.dma_semaphore, #tpu.memory_space<semaphore_mem>>) attributes {dimension_semantics = [#tpu.dimension_semantics<core_parallel>, #tpu.dimension_semantics<subcore_parallel>], iteration_bounds = array<i64: 2, 16>, scalar_prefetch = 0 : i64, scratch_operands = 8 : i64, tpu.core_type = #tpu.core_type<sc_vector_subcore>, window_params = [{transform_indices = #map}, {transform_indices = #map}, {transform_indices = #map}]} {
    %mul3A = arith.constant 2 : i32
    %mul3A_0 = arith.muli %arg1, %mul3A : i32
    %add3A = arith.addi %mul3A_0, %arg0 : i32
    %mul3A_1 = arith.constant 244 : i32
    %mul3A_2 = arith.muli %add3A, %mul3A_1 : i32
    %min3A = arith.constant 5 : i32
    %min3A_3 = arith.minsi %add3A, %min3A : i32
    %add3A_4 = arith.addi %mul3A_2, %min3A_3 : i32
    %iota3A = tpu.iota {dimensions = array<i32: 0>} : vector<16xi32>
    %add3A_5 = arith.constant 16 : i32
    %add3A_6 = vector.broadcast %add3A_5 : i32 to vector<16xi32>
    %add3A_7 = arith.addi %iota3A, %add3A_6 : vector<16xi32>
    %add3A_8 = arith.constant 0 : i32
    %add3A_9 = arith.addi %add3A_4, %add3A_8 : i32
    %min3A_10 = arith.constant 7811 : i32
    %min3A_11 = arith.minsi %add3A_9, %min3A_10 : i32
    %mul3A_12 = arith.constant 128 : i32
    %mul3A_13 = arith.muli %min3A_11, %mul3A_12 : i32
    %multiple_of3A = tpu.assume_multiple %mul3A_13, 128 : i32
    %dma_start3A = arith.constant 0 : i32
    %dma_start3A_14 = tpu.memref_slice %arg2[%dma_start3A, %multiple_of3A] : memref<32x1000000xf32, #tpu.memory_space<hbm>> -> memref<32x128xf32, #tpu.memory_space<hbm>>
    %dma_start3A_15 = arith.constant 0 : i32
    %dma_start3A_16 = tpu.memref_slice %arg2[%dma_start3A_15, %multiple_of3A] : memref<32x1000000xf32, #tpu.memory_space<hbm>> -> memref<32x128xf32, #tpu.memory_space<hbm>>
    tpu.enqueue_dma source(%dma_start3A_16 : memref<32x128xf32, #tpu.memory_space<hbm>>) target(%arg5 : memref<32x128xf32, #tpu.memory_space<vmem>>) target_semaphore(%arg9 : memref<!tpu.dma_semaphore, #tpu.memory_space<semaphore_mem>>)
    %add3A_17 = arith.constant 1 : i32
    %add3A_18 = arith.addi %add3A_4, %add3A_17 : i32
    %min3A_19 = arith.constant 7811 : i32
    %min3A_20 = arith.minsi %add3A_18, %min3A_19 : i32
    %mul3A_21 = arith.constant 128 : i32
    %mul3A_22 = arith.muli %min3A_20, %mul3A_21 : i32
    %multiple_of3A_23 = tpu.assume_multiple %mul3A_22, 128 : i32
    %dma_start3A_24 = arith.constant 0 : i32
    %dma_start3A_25 = tpu.memref_slice %arg2[%dma_start3A_24, %multiple_of3A_23] : memref<32x1000000xf32, #tpu.memory_space<hbm>> -> memref<32x128xf32, #tpu.memory_space<hbm>>
    %dma_start3A_26 = arith.constant 0 : i32
    %dma_start3A_27 = tpu.memref_slice %arg2[%dma_start3A_26, %multiple_of3A_23] : memref<32x1000000xf32, #tpu.memory_space<hbm>> -> memref<32x128xf32, #tpu.memory_space<hbm>>
    tpu.enqueue_dma source(%dma_start3A_27 : memref<32x128xf32, #tpu.memory_space<hbm>>) target(%arg6 : memref<32x128xf32, #tpu.memory_space<vmem>>) target_semaphore(%arg10 : memref<!tpu.dma_semaphore, #tpu.memory_space<semaphore_mem>>)
    %scan3A = arith.constant 0 : i32
    %scan3A_28 = arith.constant 0 : i32
    %scan3A_29 = arith.constant 123 : i32
    %scan3A_30 = arith.addi %scan3A_28, %scan3A_29 : i32
    %scan3A_31 = arith.constant 1 : i32
    %scan3A_32 = scf.for %scan3A_57 = %scan3A_28 to %scan3A_30 step %scan3A_31 iter_args(%scan3A_58 = %scan3A) -> (i32)  : i32 {
      %mul3A_59 = arith.constant 2 : i32
      %mul3A_60 = arith.muli %scan3A_57, %mul3A_59 : i32
      %add3A_61 = arith.constant 0 : i32
      %add3A_62 = arith.addi %mul3A_60, %add3A_61 : i32
      %add3A_63 = arith.addi %add3A_4, %add3A_62 : i32
      %min3A_64 = arith.constant 7811 : i32
      %min3A_65 = arith.minsi %add3A_63, %min3A_64 : i32
      %mul3A_66 = arith.constant 128 : i32
      %mul3A_67 = arith.muli %min3A_65, %mul3A_66 : i32
      %multiple_of3A_68 = tpu.assume_multiple %mul3A_67, 128 : i32
      %dma_wait3A_69 = arith.constant 0 : i32
      %dma_wait3A_70 = tpu.memref_slice %arg2[%dma_wait3A_69, %multiple_of3A_68] : memref<32x1000000xf32, #tpu.memory_space<hbm>> -> memref<32x128xf32, #tpu.memory_space<hbm>>
      %dma_wait3A_71 = arith.constant 0 : i32
      %dma_wait3A_72 = tpu.memref_slice %arg2[%dma_wait3A_71, %multiple_of3A_68] : memref<32x1000000xf32, #tpu.memory_space<hbm>> -> memref<32x128xf32, #tpu.memory_space<hbm>>
      tpu.wait_dma2 semaphore(%arg9 : memref<!tpu.dma_semaphore, #tpu.memory_space<semaphore_mem>>) src(%dma_wait3A_72 : memref<32x128xf32, #tpu.memory_space<hbm>>) dst(%arg5 : memref<32x128xf32, #tpu.memory_space<vmem>>)
      %ge3A = arith.constant 1 : i32
      %ge3A_73 = arith.cmpi sge, %scan3A_57, %ge3A : i32
      %convert_element_type3A_74 = arith.extui %ge3A_73 : i1 to i32
      %cond3A_75 = arith.constant 0 : i32
      %cond3A_76 = arith.cmpi ne, %convert_element_type3A_74, %cond3A_75 : i32
      scf.if %cond3A_76 {
        %sub3A = arith.constant 2 : i32
        %sub3A_130 = arith.subi %add3A_62, %sub3A : i32
        %add3A_131 = arith.addi %add3A_4, %sub3A_130 : i32
        %min3A_132 = arith.constant 7811 : i32
        %min3A_133 = arith.minsi %add3A_131, %min3A_132 : i32
        %mul3A_134 = arith.constant 32 : i32
        %mul3A_135 = arith.muli %min3A_133, %mul3A_134 : i32
        %multiple_of3A_136 = tpu.assume_multiple %mul3A_135, 32 : i32
        %dma_wait3A_137 = arith.constant 0 : i32
        %dma_wait3A_138 = tpu.memref_slice %arg4[%multiple_of3A_136, %dma_wait3A_137] : memref<250000x128xf32, #tpu.memory_space<hbm>> -> memref<32x128xf32, #tpu.memory_space<hbm>>
        %dma_wait3A_139 = arith.constant 0 : i32
        %dma_wait3A_140 = tpu.memref_slice %arg4[%multiple_of3A_136, %dma_wait3A_139] : memref<250000x128xf32, #tpu.memory_space<hbm>> -> memref<32x128xf32, #tpu.memory_space<hbm>>
        tpu.wait_dma2 semaphore(%arg11 : memref<!tpu.dma_semaphore, #tpu.memory_space<semaphore_mem>>) src(%arg7 : memref<32x128xf32, #tpu.memory_space<vmem>>) dst(%dma_wait3A_140 : memref<32x128xf32, #tpu.memory_space<hbm>>)
      } else {
      }
      %add3A_77 = arith.addi %add3A_4, %add3A_62 : i32
      %min3A_78 = arith.constant 7811 : i32
      %min3A_79 = arith.minsi %add3A_77, %min3A_78 : i32
      %mul3A_80 = arith.constant 32 : i32
      %mul3A_81 = arith.muli %min3A_79, %mul3A_80 : i32
      %multiple_of3A_82 = tpu.assume_multiple %mul3A_81, 32 : i32
      %dma_start3A_83 = arith.constant 0 : i32
      %dma_start3A_84 = tpu.memref_slice %arg4[%multiple_of3A_82, %dma_start3A_83] : memref<250000x128xf32, #tpu.memory_space<hbm>> -> memref<32x128xf32, #tpu.memory_space<hbm>>
      %dma_start3A_85 = arith.constant 0 : i32
      %dma_start3A_86 = tpu.memref_slice %arg4[%multiple_of3A_82, %dma_start3A_85] : memref<250000x128xf32, #tpu.memory_space<hbm>> -> memref<32x128xf32, #tpu.memory_space<hbm>>
      tpu.enqueue_dma source(%arg7 : memref<32x128xf32, #tpu.memory_space<vmem>>) target(%dma_start3A_86 : memref<32x128xf32, #tpu.memory_space<hbm>>) target_semaphore(%arg11 : memref<!tpu.dma_semaphore, #tpu.memory_space<semaphore_mem>>)
      %add3A_87 = arith.constant 2 : i32
      %add3A_88 = arith.addi %add3A_62, %add3A_87 : i32
      %lt3A = arith.constant 246 : i32
      %lt3A_89 = arith.cmpi slt, %add3A_88, %lt3A : i32
      %convert_element_type3A_90 = arith.extui %lt3A_89 : i1 to i32
      %cond3A_91 = arith.constant 0 : i32
      %cond3A_92 = arith.cmpi ne, %convert_element_type3A_90, %cond3A_91 : i32
      scf.if %cond3A_92 {
        %add3A_130 = arith.constant 2 : i32
        %add3A_131 = arith.addi %add3A_62, %add3A_130 : i32
        %add3A_132 = arith.addi %add3A_4, %add3A_131 : i32
        %min3A_133 = arith.constant 7811 : i32
        %min3A_134 = arith.minsi %add3A_132, %min3A_133 : i32
        %mul3A_135 = arith.constant 128 : i32
        %mul3A_136 = arith.muli %min3A_134, %mul3A_135 : i32
        %multiple_of3A_137 = tpu.assume_multiple %mul3A_136, 128 : i32
        %dma_start3A_138 = arith.constant 0 : i32
        %dma_start3A_139 = tpu.memref_slice %arg2[%dma_start3A_138, %multiple_of3A_137] : memref<32x1000000xf32, #tpu.memory_space<hbm>> -> memref<32x128xf32, #tpu.memory_space<hbm>>
        %dma_start3A_140 = arith.constant 0 : i32
        %dma_start3A_141 = tpu.memref_slice %arg2[%dma_start3A_140, %multiple_of3A_137] : memref<32x1000000xf32, #tpu.memory_space<hbm>> -> memref<32x128xf32, #tpu.memory_space<hbm>>
        tpu.enqueue_dma source(%dma_start3A_141 : memref<32x128xf32, #tpu.memory_space<hbm>>) target(%arg5 : memref<32x128xf32, #tpu.memory_space<vmem>>) target_semaphore(%arg9 : memref<!tpu.dma_semaphore, #tpu.memory_space<semaphore_mem>>)
      } else {
      }
      %mul3A_93 = arith.constant 2 : i32
      %mul3A_94 = arith.muli %scan3A_57, %mul3A_93 : i32
      %add3A_95 = arith.constant 1 : i32
      %add3A_96 = arith.addi %mul3A_94, %add3A_95 : i32
      %add3A_97 = arith.addi %add3A_4, %add3A_96 : i32
      %min3A_98 = arith.constant 7811 : i32
      %min3A_99 = arith.minsi %add3A_97, %min3A_98 : i32
      %mul3A_100 = arith.constant 128 : i32
      %mul3A_101 = arith.muli %min3A_99, %mul3A_100 : i32
      %multiple_of3A_102 = tpu.assume_multiple %mul3A_101, 128 : i32
      %dma_wait3A_103 = arith.constant 0 : i32
      %dma_wait3A_104 = tpu.memref_slice %arg2[%dma_wait3A_103, %multiple_of3A_102] : memref<32x1000000xf32, #tpu.memory_space<hbm>> -> memref<32x128xf32, #tpu.memory_space<hbm>>
      %dma_wait3A_105 = arith.constant 0 : i32
      %dma_wait3A_106 = tpu.memref_slice %arg2[%dma_wait3A_105, %multiple_of3A_102] : memref<32x1000000xf32, #tpu.memory_space<hbm>> -> memref<32x128xf32, #tpu.memory_space<hbm>>
      tpu.wait_dma2 semaphore(%arg10 : memref<!tpu.dma_semaphore, #tpu.memory_space<semaphore_mem>>) src(%dma_wait3A_106 : memref<32x128xf32, #tpu.memory_space<hbm>>) dst(%arg6 : memref<32x128xf32, #tpu.memory_space<vmem>>)
      %ge3A_107 = arith.constant 1 : i32
      %ge3A_108 = arith.cmpi sge, %scan3A_57, %ge3A_107 : i32
      %convert_element_type3A_109 = arith.extui %ge3A_108 : i1 to i32
      %cond3A_110 = arith.constant 0 : i32
      %cond3A_111 = arith.cmpi ne, %convert_element_type3A_109, %cond3A_110 : i32
      scf.if %cond3A_111 {
        %sub3A = arith.constant 2 : i32
        %sub3A_130 = arith.subi %add3A_96, %sub3A : i32
        %add3A_131 = arith.addi %add3A_4, %sub3A_130 : i32
        %min3A_132 = arith.constant 7811 : i32
        %min3A_133 = arith.minsi %add3A_131, %min3A_132 : i32
        %mul3A_134 = arith.constant 32 : i32
        %mul3A_135 = arith.muli %min3A_133, %mul3A_134 : i32
        %multiple_of3A_136 = tpu.assume_multiple %mul3A_135, 32 : i32
        %dma_wait3A_137 = arith.constant 0 : i32
        %dma_wait3A_138 = tpu.memref_slice %arg4[%multiple_of3A_136, %dma_wait3A_137] : memref<250000x128xf32, #tpu.memory_space<hbm>> -> memref<32x128xf32, #tpu.memory_space<hbm>>
        %dma_wait3A_139 = arith.constant 0 : i32
        %dma_wait3A_140 = tpu.memref_slice %arg4[%multiple_of3A_136, %dma_wait3A_139] : memref<250000x128xf32, #tpu.memory_space<hbm>> -> memref<32x128xf32, #tpu.memory_space<hbm>>
        tpu.wait_dma2 semaphore(%arg12 : memref<!tpu.dma_semaphore, #tpu.memory_space<semaphore_mem>>) src(%arg8 : memref<32x128xf32, #tpu.memory_space<vmem>>) dst(%dma_wait3A_140 : memref<32x128xf32, #tpu.memory_space<hbm>>)
      } else {
      }
      %add3A_112 = arith.addi %add3A_4, %add3A_96 : i32
      %min3A_113 = arith.constant 7811 : i32
      %min3A_114 = arith.minsi %add3A_112, %min3A_113 : i32
      %mul3A_115 = arith.constant 32 : i32
      %mul3A_116 = arith.muli %min3A_114, %mul3A_115 : i32
      %multiple_of3A_117 = tpu.assume_multiple %mul3A_116, 32 : i32
      %dma_start3A_118 = arith.constant 0 : i32
      %dma_start3A_119 = tpu.memref_slice %arg4[%multiple_of3A_117, %dma_start3A_118] : memref<250000x128xf32, #tpu.memory_space<hbm>> -> memref<32x128xf32, #tpu.memory_space<hbm>>
      %dma_start3A_120 = arith.constant 0 : i32
      %dma_start3A_121 = tpu.memref_slice %arg4[%multiple_of3A_117, %dma_start3A_120] : memref<250000x128xf32, #tpu.memory_space<hbm>> -> memref<32x128xf32, #tpu.memory_space<hbm>>
      tpu.enqueue_dma source(%arg8 : memref<32x128xf32, #tpu.memory_space<vmem>>) target(%dma_start3A_121 : memref<32x128xf32, #tpu.memory_space<hbm>>) target_semaphore(%arg12 : memref<!tpu.dma_semaphore, #tpu.memory_space<semaphore_mem>>)
      %add3A_122 = arith.constant 2 : i32
      %add3A_123 = arith.addi %add3A_96, %add3A_122 : i32
      %lt3A_124 = arith.constant 246 : i32
      %lt3A_125 = arith.cmpi slt, %add3A_123, %lt3A_124 : i32
      %convert_element_type3A_126 = arith.extui %lt3A_125 : i1 to i32
      %cond3A_127 = arith.constant 0 : i32
      %cond3A_128 = arith.cmpi ne, %convert_element_type3A_126, %cond3A_127 : i32
      scf.if %cond3A_128 {
        %add3A_130 = arith.constant 2 : i32
        %add3A_131 = arith.addi %add3A_96, %add3A_130 : i32
        %add3A_132 = arith.addi %add3A_4, %add3A_131 : i32
        %min3A_133 = arith.constant 7811 : i32
        %min3A_134 = arith.minsi %add3A_132, %min3A_133 : i32
        %mul3A_135 = arith.constant 128 : i32
        %mul3A_136 = arith.muli %min3A_134, %mul3A_135 : i32
        %multiple_of3A_137 = tpu.assume_multiple %mul3A_136, 128 : i32
        %dma_start3A_138 = arith.constant 0 : i32
        %dma_start3A_139 = tpu.memref_slice %arg2[%dma_start3A_138, %multiple_of3A_137] : memref<32x1000000xf32, #tpu.memory_space<hbm>> -> memref<32x128xf32, #tpu.memory_space<hbm>>
        %dma_start3A_140 = arith.constant 0 : i32
        %dma_start3A_141 = tpu.memref_slice %arg2[%dma_start3A_140, %multiple_of3A_137] : memref<32x1000000xf32, #tpu.memory_space<hbm>> -> memref<32x128xf32, #tpu.memory_space<hbm>>
        tpu.enqueue_dma source(%dma_start3A_141 : memref<32x128xf32, #tpu.memory_space<hbm>>) target(%arg6 : memref<32x128xf32, #tpu.memory_space<vmem>>) target_semaphore(%arg10 : memref<!tpu.dma_semaphore, #tpu.memory_space<semaphore_mem>>)
      } else {
      }
      %scan3A_129 = arith.constant 0 : i32
      scf.yield %scan3A_129 : i32
    }
    %scan3A_33 = arith.constant 123 : i32
    %add3A_34 = arith.constant 244 : i32
    %add3A_35 = arith.addi %add3A_4, %add3A_34 : i32
    %min3A_36 = arith.constant 7811 : i32
    %min3A_37 = arith.minsi %add3A_35, %min3A_36 : i32
    %mul3A_38 = arith.constant 32 : i32
    %mul3A_39 = arith.muli %min3A_37, %mul3A_38 : i32
    %multiple_of3A_40 = tpu.assume_multiple %mul3A_39, 32 : i32
    %dma_wait3A = arith.constant 0 : i32
    %dma_wait3A_41 = tpu.memref_slice %arg4[%multiple_of3A_40, %dma_wait3A] : memref<250000x128xf32, #tpu.memory_space<hbm>> -> memref<32x128xf32, #tpu.memory_space<hbm>>
    %dma_wait3A_42 = arith.constant 0 : i32
    %dma_wait3A_43 = tpu.memref_slice %arg4[%multiple_of3A_40, %dma_wait3A_42] : memref<250000x128xf32, #tpu.memory_space<hbm>> -> memref<32x128xf32, #tpu.memory_space<hbm>>
    tpu.wait_dma2 semaphore(%arg11 : memref<!tpu.dma_semaphore, #tpu.memory_space<semaphore_mem>>) src(%arg7 : memref<32x128xf32, #tpu.memory_space<vmem>>) dst(%dma_wait3A_43 : memref<32x128xf32, #tpu.memory_space<hbm>>)
    %add3A_44 = arith.constant 245 : i32
    %add3A_45 = arith.addi %add3A_4, %add3A_44 : i32
    %min3A_46 = arith.constant 7811 : i32
    %min3A_47 = arith.minsi %add3A_45, %min3A_46 : i32
    %mul3A_48 = arith.constant 32 : i32
    %mul3A_49 = arith.muli %min3A_47, %mul3A_48 : i32
    %multiple_of3A_50 = tpu.assume_multiple %mul3A_49, 32 : i32
    %dma_wait3A_51 = arith.constant 0 : i32
    %dma_wait3A_52 = tpu.memref_slice %arg4[%multiple_of3A_50, %dma_wait3A_51] : memref<250000x128xf32, #tpu.memory_space<hbm>> -> memref<32x128xf32, #tpu.memory_space<hbm>>
    %dma_wait3A_53 = arith.constant 0 : i32
    %dma_wait3A_54 = tpu.memref_slice %arg4[%multiple_of3A_50, %dma_wait3A_53] : memref<250000x128xf32, #tpu.memory_space<hbm>> -> memref<32x128xf32, #tpu.memory_space<hbm>>
    tpu.wait_dma2 semaphore(%arg12 : memref<!tpu.dma_semaphore, #tpu.memory_space<semaphore_mem>>) src(%arg8 : memref<32x128xf32, #tpu.memory_space<vmem>>) dst(%dma_wait3A_54 : memref<32x128xf32, #tpu.memory_space<hbm>>)
    %eq3A = arith.constant 31 : i32
    %eq3A_55 = arith.cmpi eq, %add3A, %eq3A : i32
    %convert_element_type3A = arith.extui %eq3A_55 : i1 to i32
    %cond3A = arith.constant 0 : i32
    %cond3A_56 = arith.cmpi ne, %convert_element_type3A, %cond3A : i32
    scf.if %cond3A_56 {
      "tpu.region"() ({
        %run_scoped3A = tpu.sem_alloc : memref<!tpu.dma_semaphore, #tpu.memory_space<semaphore_mem>>
        %dma_start3A_57 = arith.constant 0 : i32
        %dma_start3A_58 = arith.constant 0 : i32
        %dma_start3A_59 = tpu.memref_slice %arg7[%dma_start3A_57, %dma_start3A_58] : memref<32x128xf32, #tpu.memory_space<vmem>> -> memref<16x128xf32, #tpu.memory_space<vmem>>
        %dma_start3A_60 = arith.constant 0 : i32
        %dma_start3A_61 = arith.constant 0 : i32
        %dma_start3A_62 = tpu.memref_slice %arg7[%dma_start3A_60, %dma_start3A_61] : memref<32x128xf32, #tpu.memory_space<vmem>> -> memref<16x128xf32, #tpu.memory_space<vmem>>
        tpu.enqueue_dma source(%arg3 : memref<16x128xf32, #tpu.memory_space<hbm>>) target(%dma_start3A_62 : memref<16x128xf32, #tpu.memory_space<vmem>>) target_semaphore(%run_scoped3A : memref<!tpu.dma_semaphore, #tpu.memory_space<semaphore_mem>>)
        %dma_wait3A_63 = arith.constant 0 : i32
        %dma_wait3A_64 = arith.constant 0 : i32
        %dma_wait3A_65 = tpu.memref_slice %arg7[%dma_wait3A_63, %dma_wait3A_64] : memref<32x128xf32, #tpu.memory_space<vmem>> -> memref<16x128xf32, #tpu.memory_space<vmem>>
        %dma_wait3A_66 = arith.constant 0 : i32
        %dma_wait3A_67 = arith.constant 0 : i32
        %dma_wait3A_68 = tpu.memref_slice %arg7[%dma_wait3A_66, %dma_wait3A_67] : memref<32x128xf32, #tpu.memory_space<vmem>> -> memref<16x128xf32, #tpu.memory_space<vmem>>
        tpu.wait_dma2 semaphore(%run_scoped3A : memref<!tpu.dma_semaphore, #tpu.memory_space<semaphore_mem>>) src(%arg3 : memref<16x128xf32, #tpu.memory_space<hbm>>) dst(%dma_wait3A_68 : memref<16x128xf32, #tpu.memory_space<vmem>>)
        tpu.yield
      }) : () -> ()
      "tpu.region"() ({
        %run_scoped3A = tpu.sem_alloc : memref<!tpu.dma_semaphore, #tpu.memory_space<semaphore_mem>>
        %dma_start3A_57 = arith.constant 0 : i32
        %dma_start3A_58 = arith.constant 0 : i32
        %dma_start3A_59 = tpu.memref_slice %arg7[%dma_start3A_57, %dma_start3A_58] : memref<32x128xf32, #tpu.memory_space<vmem>> -> memref<16x128xf32, #tpu.memory_space<vmem>>
        %dma_start3A_60 = arith.constant 249984 : i32
        %dma_start3A_61 = arith.constant 0 : i32
        %dma_start3A_62 = tpu.memref_slice %arg4[%dma_start3A_60, %dma_start3A_61] : memref<250000x128xf32, #tpu.memory_space<hbm>> -> memref<16x128xf32, #tpu.memory_space<hbm>>
        %dma_start3A_63 = arith.constant 249984 : i32
        %dma_start3A_64 = arith.constant 0 : i32
        %dma_start3A_65 = tpu.memref_slice %arg4[%dma_start3A_63, %dma_start3A_64] : memref<250000x128xf32, #tpu.memory_space<hbm>> -> memref<16x128xf32, #tpu.memory_space<hbm>>
        %dma_start3A_66 = arith.constant 0 : i32
        %dma_start3A_67 = arith.constant 0 : i32
        %dma_start3A_68 = tpu.memref_slice %arg7[%dma_start3A_66, %dma_start3A_67] : memref<32x128xf32, #tpu.memory_space<vmem>> -> memref<16x128xf32, #tpu.memory_space<vmem>>
        tpu.enqueue_dma source(%dma_start3A_68 : memref<16x128xf32, #tpu.memory_space<vmem>>) target(%dma_start3A_65 : memref<16x128xf32, #tpu.memory_space<hbm>>) target_semaphore(%run_scoped3A : memref<!tpu.dma_semaphore, #tpu.memory_space<semaphore_mem>>)
        %dma_wait3A_69 = arith.constant 0 : i32
        %dma_wait3A_70 = arith.constant 0 : i32
        %dma_wait3A_71 = tpu.memref_slice %arg7[%dma_wait3A_69, %dma_wait3A_70] : memref<32x128xf32, #tpu.memory_space<vmem>> -> memref<16x128xf32, #tpu.memory_space<vmem>>
        %dma_wait3A_72 = arith.constant 249984 : i32
        %dma_wait3A_73 = arith.constant 0 : i32
        %dma_wait3A_74 = tpu.memref_slice %arg4[%dma_wait3A_72, %dma_wait3A_73] : memref<250000x128xf32, #tpu.memory_space<hbm>> -> memref<16x128xf32, #tpu.memory_space<hbm>>
        %dma_wait3A_75 = arith.constant 249984 : i32
        %dma_wait3A_76 = arith.constant 0 : i32
        %dma_wait3A_77 = tpu.memref_slice %arg4[%dma_wait3A_75, %dma_wait3A_76] : memref<250000x128xf32, #tpu.memory_space<hbm>> -> memref<16x128xf32, #tpu.memory_space<hbm>>
        %dma_wait3A_78 = arith.constant 0 : i32
        %dma_wait3A_79 = arith.constant 0 : i32
        %dma_wait3A_80 = tpu.memref_slice %arg7[%dma_wait3A_78, %dma_wait3A_79] : memref<32x128xf32, #tpu.memory_space<vmem>> -> memref<16x128xf32, #tpu.memory_space<vmem>>
        tpu.wait_dma2 semaphore(%run_scoped3A : memref<!tpu.dma_semaphore, #tpu.memory_space<semaphore_mem>>) src(%dma_wait3A_80 : memref<16x128xf32, #tpu.memory_space<vmem>>) dst(%dma_wait3A_77 : memref<16x128xf32, #tpu.memory_space<hbm>>)
        tpu.yield
      }) : () -> ()
    } else {
    }
    return
  }
}

#map = affine_map<(d0, d1) -> (0, 0)>
#map1 = affine_map<(d0, d1) -> (0, 0, 0)>
module attributes {stable_mosaic.version = 14 : i64} {
  func.func @lookup(%arg0: i32, %arg1: i32, %arg2: memref<200x4096xi32, #tpu.memory_space<hbm>>, %arg3: memref<250000x128xf32, #tpu.memory_space<hbm>>, %arg4: memref<200x32x4096xf32, #tpu.memory_space<hbm>>, %arg5: memref<200x128xi32, #tpu.memory_space<vmem>>, %arg6: memref<128xi32, #tpu.memory_space<vmem>>, %arg7: memref<128xi32, #tpu.memory_space<vmem>>, %arg8: memref<128x128xf32, #tpu.memory_space<vmem>>, %arg9: memref<128x128xf32, #tpu.memory_space<vmem>>, %arg10: memref<32x128xf32, #tpu.memory_space<vmem>>, %arg11: memref<32x128xf32, #tpu.memory_space<vmem>>, %arg12: memref<!tpu.dma_semaphore, #tpu.memory_space<semaphore_mem>>, %arg13: memref<!tpu.dma_semaphore, #tpu.memory_space<semaphore_mem>>, %arg14: memref<!tpu.dma_semaphore, #tpu.memory_space<semaphore_mem>>, %arg15: memref<!tpu.dma_semaphore, #tpu.memory_space<semaphore_mem>>) attributes {dimension_semantics = [#tpu.dimension_semantics<core_parallel>, #tpu.dimension_semantics<subcore_parallel>], iteration_bounds = array<i64: 2, 16>, scalar_prefetch = 0 : i64, scratch_operands = 11 : i64, tpu.core_type = #tpu.core_type<sc_vector_subcore>, window_params = [{transform_indices = #map}, {transform_indices = #map}, {transform_indices = #map1}]} {
    %mul3A = arith.constant 2 : i32
    %mul3A_0 = arith.muli %arg1, %mul3A : i32
    %add3A = arith.addi %mul3A_0, %arg0 : i32
    %mul3A_1 = arith.constant 128 : i32
    %mul3A_2 = arith.muli %add3A, %mul3A_1 : i32
    %iota3A = tpu.iota {dimensions = array<i32: 0>} : vector<16xi32>
    %add3A_3 = arith.constant 0 : i32
    %add3A_4 = vector.broadcast %add3A_3 : i32 to vector<16xi32>
    %add3A_5 = arith.addi %iota3A, %add3A_4 : vector<16xi32>
    %add3A_6 = arith.constant 16 : i32
    %add3A_7 = vector.broadcast %add3A_6 : i32 to vector<16xi32>
    %add3A_8 = arith.addi %iota3A, %add3A_7 : vector<16xi32>
    %add3A_9 = arith.constant 32 : i32
    %add3A_10 = vector.broadcast %add3A_9 : i32 to vector<16xi32>
    %add3A_11 = arith.addi %iota3A, %add3A_10 : vector<16xi32>
    %add3A_12 = arith.constant 48 : i32
    %add3A_13 = vector.broadcast %add3A_12 : i32 to vector<16xi32>
    %add3A_14 = arith.addi %iota3A, %add3A_13 : vector<16xi32>
    %add3A_15 = arith.constant 64 : i32
    %add3A_16 = vector.broadcast %add3A_15 : i32 to vector<16xi32>
    %add3A_17 = arith.addi %iota3A, %add3A_16 : vector<16xi32>
    %add3A_18 = arith.constant 80 : i32
    %add3A_19 = vector.broadcast %add3A_18 : i32 to vector<16xi32>
    %add3A_20 = arith.addi %iota3A, %add3A_19 : vector<16xi32>
    %add3A_21 = arith.constant 96 : i32
    %add3A_22 = vector.broadcast %add3A_21 : i32 to vector<16xi32>
    %add3A_23 = arith.addi %iota3A, %add3A_22 : vector<16xi32>
    %add3A_24 = arith.constant 112 : i32
    %add3A_25 = vector.broadcast %add3A_24 : i32 to vector<16xi32>
    %add3A_26 = arith.addi %iota3A, %add3A_25 : vector<16xi32>
    "tpu.region"() ({
      %run_scoped3A = tpu.sem_alloc : memref<!tpu.dma_semaphore, #tpu.memory_space<semaphore_mem>>
      %dma_start3A_192 = arith.constant 0 : i32
      %dma_start3A_193 = tpu.memref_slice %arg2[%dma_start3A_192, %mul3A_2] : memref<200x4096xi32, #tpu.memory_space<hbm>> -> memref<200x128xi32, #tpu.memory_space<hbm>>
      %dma_start3A_194 = arith.constant 0 : i32
      %dma_start3A_195 = tpu.memref_slice %arg2[%dma_start3A_194, %mul3A_2] : memref<200x4096xi32, #tpu.memory_space<hbm>> -> memref<200x128xi32, #tpu.memory_space<hbm>>
      tpu.enqueue_dma source(%dma_start3A_195 : memref<200x128xi32, #tpu.memory_space<hbm>>) target(%arg5 : memref<200x128xi32, #tpu.memory_space<vmem>>) target_semaphore(%run_scoped3A : memref<!tpu.dma_semaphore, #tpu.memory_space<semaphore_mem>>)
      %dma_wait3A_196 = arith.constant 0 : i32
      %dma_wait3A_197 = tpu.memref_slice %arg2[%dma_wait3A_196, %mul3A_2] : memref<200x4096xi32, #tpu.memory_space<hbm>> -> memref<200x128xi32, #tpu.memory_space<hbm>>
      %dma_wait3A_198 = arith.constant 0 : i32
      %dma_wait3A_199 = tpu.memref_slice %arg2[%dma_wait3A_198, %mul3A_2] : memref<200x4096xi32, #tpu.memory_space<hbm>> -> memref<200x128xi32, #tpu.memory_space<hbm>>
      tpu.wait_dma2 semaphore(%run_scoped3A : memref<!tpu.dma_semaphore, #tpu.memory_space<semaphore_mem>>) src(%dma_wait3A_199 : memref<200x128xi32, #tpu.memory_space<hbm>>) dst(%arg5 : memref<200x128xi32, #tpu.memory_space<vmem>>)
      tpu.yield
    }) : () -> ()
    %get3A = arith.constant 0 : i32
    %get3A_27 = arith.index_cast %get3A : i32 to index
    %get3A_28 = arith.constant 0 : index
    %get3A_29 = tpu.vector_load %arg5[%get3A_27, %get3A_28] {strides = array<i32>} : memref<200x128xi32, #tpu.memory_space<vmem>>, vector<16xi32>,
    %shift_right_logical3A = arith.constant 2 : i32
    %shift_right_logical3A_30 = vector.broadcast %shift_right_logical3A : i32 to vector<16xi32>
    %shift_right_logical3A_31 = arith.shrui %get3A_29, %shift_right_logical3A_30 : vector<16xi32>
    %swap3A = arith.constant 0 : index
    %swap3A_32 = tpu.vector_load %arg6[%swap3A] {strides = array<i32>} : memref<128xi32, #tpu.memory_space<vmem>>, vector<16xi32>,
    tpu.vector_store %arg6[%swap3A], %shift_right_logical3A_31 {strides = array<i32>} : memref<128xi32, #tpu.memory_space<vmem>>, vector<16xi32>,
    %get3A_33 = arith.constant 0 : i32
    %get3A_34 = arith.index_cast %get3A_33 : i32 to index
    %get3A_35 = arith.constant 16 : index
    %get3A_36 = tpu.vector_load %arg5[%get3A_34, %get3A_35] {strides = array<i32>} : memref<200x128xi32, #tpu.memory_space<vmem>>, vector<16xi32>,
    %shift_right_logical3A_37 = arith.constant 2 : i32
    %shift_right_logical3A_38 = vector.broadcast %shift_right_logical3A_37 : i32 to vector<16xi32>
    %shift_right_logical3A_39 = arith.shrui %get3A_36, %shift_right_logical3A_38 : vector<16xi32>
    %swap3A_40 = arith.constant 16 : index
    %swap3A_41 = tpu.vector_load %arg6[%swap3A_40] {strides = array<i32>} : memref<128xi32, #tpu.memory_space<vmem>>, vector<16xi32>,
    tpu.vector_store %arg6[%swap3A_40], %shift_right_logical3A_39 {strides = array<i32>} : memref<128xi32, #tpu.memory_space<vmem>>, vector<16xi32>,
    %get3A_42 = arith.constant 0 : i32
    %get3A_43 = arith.index_cast %get3A_42 : i32 to index
    %get3A_44 = arith.constant 32 : index
    %get3A_45 = tpu.vector_load %arg5[%get3A_43, %get3A_44] {strides = array<i32>} : memref<200x128xi32, #tpu.memory_space<vmem>>, vector<16xi32>,
    %shift_right_logical3A_46 = arith.constant 2 : i32
    %shift_right_logical3A_47 = vector.broadcast %shift_right_logical3A_46 : i32 to vector<16xi32>
    %shift_right_logical3A_48 = arith.shrui %get3A_45, %shift_right_logical3A_47 : vector<16xi32>
    %swap3A_49 = arith.constant 32 : index
    %swap3A_50 = tpu.vector_load %arg6[%swap3A_49] {strides = array<i32>} : memref<128xi32, #tpu.memory_space<vmem>>, vector<16xi32>,
    tpu.vector_store %arg6[%swap3A_49], %shift_right_logical3A_48 {strides = array<i32>} : memref<128xi32, #tpu.memory_space<vmem>>, vector<16xi32>,
    %get3A_51 = arith.constant 0 : i32
    %get3A_52 = arith.index_cast %get3A_51 : i32 to index
    %get3A_53 = arith.constant 48 : index
    %get3A_54 = tpu.vector_load %arg5[%get3A_52, %get3A_53] {strides = array<i32>} : memref<200x128xi32, #tpu.memory_space<vmem>>, vector<16xi32>,
    %shift_right_logical3A_55 = arith.constant 2 : i32
    %shift_right_logical3A_56 = vector.broadcast %shift_right_logical3A_55 : i32 to vector<16xi32>
    %shift_right_logical3A_57 = arith.shrui %get3A_54, %shift_right_logical3A_56 : vector<16xi32>
    %swap3A_58 = arith.constant 48 : index
    %swap3A_59 = tpu.vector_load %arg6[%swap3A_58] {strides = array<i32>} : memref<128xi32, #tpu.memory_space<vmem>>, vector<16xi32>,
    tpu.vector_store %arg6[%swap3A_58], %shift_right_logical3A_57 {strides = array<i32>} : memref<128xi32, #tpu.memory_space<vmem>>, vector<16xi32>,
    %get3A_60 = arith.constant 0 : i32
    %get3A_61 = arith.index_cast %get3A_60 : i32 to index
    %get3A_62 = arith.constant 64 : index
    %get3A_63 = tpu.vector_load %arg5[%get3A_61, %get3A_62] {strides = array<i32>} : memref<200x128xi32, #tpu.memory_space<vmem>>, vector<16xi32>,
    %shift_right_logical3A_64 = arith.constant 2 : i32
    %shift_right_logical3A_65 = vector.broadcast %shift_right_logical3A_64 : i32 to vector<16xi32>
    %shift_right_logical3A_66 = arith.shrui %get3A_63, %shift_right_logical3A_65 : vector<16xi32>
    %swap3A_67 = arith.constant 64 : index
    %swap3A_68 = tpu.vector_load %arg6[%swap3A_67] {strides = array<i32>} : memref<128xi32, #tpu.memory_space<vmem>>, vector<16xi32>,
    tpu.vector_store %arg6[%swap3A_67], %shift_right_logical3A_66 {strides = array<i32>} : memref<128xi32, #tpu.memory_space<vmem>>, vector<16xi32>,
    %get3A_69 = arith.constant 0 : i32
    %get3A_70 = arith.index_cast %get3A_69 : i32 to index
    %get3A_71 = arith.constant 80 : index
    %get3A_72 = tpu.vector_load %arg5[%get3A_70, %get3A_71] {strides = array<i32>} : memref<200x128xi32, #tpu.memory_space<vmem>>, vector<16xi32>,
    %shift_right_logical3A_73 = arith.constant 2 : i32
    %shift_right_logical3A_74 = vector.broadcast %shift_right_logical3A_73 : i32 to vector<16xi32>
    %shift_right_logical3A_75 = arith.shrui %get3A_72, %shift_right_logical3A_74 : vector<16xi32>
    %swap3A_76 = arith.constant 80 : index
    %swap3A_77 = tpu.vector_load %arg6[%swap3A_76] {strides = array<i32>} : memref<128xi32, #tpu.memory_space<vmem>>, vector<16xi32>,
    tpu.vector_store %arg6[%swap3A_76], %shift_right_logical3A_75 {strides = array<i32>} : memref<128xi32, #tpu.memory_space<vmem>>, vector<16xi32>,
    %get3A_78 = arith.constant 0 : i32
    %get3A_79 = arith.index_cast %get3A_78 : i32 to index
    %get3A_80 = arith.constant 96 : index
    %get3A_81 = tpu.vector_load %arg5[%get3A_79, %get3A_80] {strides = array<i32>} : memref<200x128xi32, #tpu.memory_space<vmem>>, vector<16xi32>,
    %shift_right_logical3A_82 = arith.constant 2 : i32
    %shift_right_logical3A_83 = vector.broadcast %shift_right_logical3A_82 : i32 to vector<16xi32>
    %shift_right_logical3A_84 = arith.shrui %get3A_81, %shift_right_logical3A_83 : vector<16xi32>
    %swap3A_85 = arith.constant 96 : index
    %swap3A_86 = tpu.vector_load %arg6[%swap3A_85] {strides = array<i32>} : memref<128xi32, #tpu.memory_space<vmem>>, vector<16xi32>,
    tpu.vector_store %arg6[%swap3A_85], %shift_right_logical3A_84 {strides = array<i32>} : memref<128xi32, #tpu.memory_space<vmem>>, vector<16xi32>,
    %get3A_87 = arith.constant 0 : i32
    %get3A_88 = arith.index_cast %get3A_87 : i32 to index
    %get3A_89 = arith.constant 112 : index
    %get3A_90 = tpu.vector_load %arg5[%get3A_88, %get3A_89] {strides = array<i32>} : memref<200x128xi32, #tpu.memory_space<vmem>>, vector<16xi32>,
    %shift_right_logical3A_91 = arith.constant 2 : i32
    %shift_right_logical3A_92 = vector.broadcast %shift_right_logical3A_91 : i32 to vector<16xi32>
    %shift_right_logical3A_93 = arith.shrui %get3A_90, %shift_right_logical3A_92 : vector<16xi32>
    %swap3A_94 = arith.constant 112 : index
    %swap3A_95 = tpu.vector_load %arg6[%swap3A_94] {strides = array<i32>} : memref<128xi32, #tpu.memory_space<vmem>>, vector<16xi32>,
    tpu.vector_store %arg6[%swap3A_94], %shift_right_logical3A_93 {strides = array<i32>} : memref<128xi32, #tpu.memory_space<vmem>>, vector<16xi32>,
    %dma_start3A = arith.constant 0 : i32
    %dma_start3A_96 = arith.constant 0 : i32
    %dma_start3A_97 = tpu.memref_slice %arg3[%dma_start3A, %dma_start3A_96] : memref<250000x128xf32, #tpu.memory_space<hbm>> -> memref<250000x128xf32, #tpu.memory_space<hbm>>
    tpu.enqueue_indirect_dma source(%dma_start3A_97 : memref<250000x128xf32, #tpu.memory_space<hbm>>) target(%arg8 : memref<128x128xf32, #tpu.memory_space<vmem>>) offsets(%arg6 : memref<128xi32, #tpu.memory_space<vmem>>) semaphore(%arg12 : memref<!tpu.dma_semaphore, #tpu.memory_space<semaphore_mem>>)
    %get3A_98 = arith.constant 1 : i32
    %get3A_99 = arith.index_cast %get3A_98 : i32 to index
    %get3A_100 = arith.constant 0 : index
    %get3A_101 = tpu.vector_load %arg5[%get3A_99, %get3A_100] {strides = array<i32>} : memref<200x128xi32, #tpu.memory_space<vmem>>, vector<16xi32>,
    %shift_right_logical3A_102 = arith.constant 2 : i32
    %shift_right_logical3A_103 = vector.broadcast %shift_right_logical3A_102 : i32 to vector<16xi32>
    %shift_right_logical3A_104 = arith.shrui %get3A_101, %shift_right_logical3A_103 : vector<16xi32>
    %swap3A_105 = arith.constant 0 : index
    %swap3A_106 = tpu.vector_load %arg7[%swap3A_105] {strides = array<i32>} : memref<128xi32, #tpu.memory_space<vmem>>, vector<16xi32>,
    tpu.vector_store %arg7[%swap3A_105], %shift_right_logical3A_104 {strides = array<i32>} : memref<128xi32, #tpu.memory_space<vmem>>, vector<16xi32>,
    %get3A_107 = arith.constant 1 : i32
    %get3A_108 = arith.index_cast %get3A_107 : i32 to index
    %get3A_109 = arith.constant 16 : index
    %get3A_110 = tpu.vector_load %arg5[%get3A_108, %get3A_109] {strides = array<i32>} : memref<200x128xi32, #tpu.memory_space<vmem>>, vector<16xi32>,
    %shift_right_logical3A_111 = arith.constant 2 : i32
    %shift_right_logical3A_112 = vector.broadcast %shift_right_logical3A_111 : i32 to vector<16xi32>
    %shift_right_logical3A_113 = arith.shrui %get3A_110, %shift_right_logical3A_112 : vector<16xi32>
    %swap3A_114 = arith.constant 16 : index
    %swap3A_115 = tpu.vector_load %arg7[%swap3A_114] {strides = array<i32>} : memref<128xi32, #tpu.memory_space<vmem>>, vector<16xi32>,
    tpu.vector_store %arg7[%swap3A_114], %shift_right_logical3A_113 {strides = array<i32>} : memref<128xi32, #tpu.memory_space<vmem>>, vector<16xi32>,
    %get3A_116 = arith.constant 1 : i32
    %get3A_117 = arith.index_cast %get3A_116 : i32 to index
    %get3A_118 = arith.constant 32 : index
    %get3A_119 = tpu.vector_load %arg5[%get3A_117, %get3A_118] {strides = array<i32>} : memref<200x128xi32, #tpu.memory_space<vmem>>, vector<16xi32>,
    %shift_right_logical3A_120 = arith.constant 2 : i32
    %shift_right_logical3A_121 = vector.broadcast %shift_right_logical3A_120 : i32 to vector<16xi32>
    %shift_right_logical3A_122 = arith.shrui %get3A_119, %shift_right_logical3A_121 : vector<16xi32>
    %swap3A_123 = arith.constant 32 : index
    %swap3A_124 = tpu.vector_load %arg7[%swap3A_123] {strides = array<i32>} : memref<128xi32, #tpu.memory_space<vmem>>, vector<16xi32>,
    tpu.vector_store %arg7[%swap3A_123], %shift_right_logical3A_122 {strides = array<i32>} : memref<128xi32, #tpu.memory_space<vmem>>, vector<16xi32>,
    %get3A_125 = arith.constant 1 : i32
    %get3A_126 = arith.index_cast %get3A_125 : i32 to index
    %get3A_127 = arith.constant 48 : index
    %get3A_128 = tpu.vector_load %arg5[%get3A_126, %get3A_127] {strides = array<i32>} : memref<200x128xi32, #tpu.memory_space<vmem>>, vector<16xi32>,
    %shift_right_logical3A_129 = arith.constant 2 : i32
    %shift_right_logical3A_130 = vector.broadcast %shift_right_logical3A_129 : i32 to vector<16xi32>
    %shift_right_logical3A_131 = arith.shrui %get3A_128, %shift_right_logical3A_130 : vector<16xi32>
    %swap3A_132 = arith.constant 48 : index
    %swap3A_133 = tpu.vector_load %arg7[%swap3A_132] {strides = array<i32>} : memref<128xi32, #tpu.memory_space<vmem>>, vector<16xi32>,
    tpu.vector_store %arg7[%swap3A_132], %shift_right_logical3A_131 {strides = array<i32>} : memref<128xi32, #tpu.memory_space<vmem>>, vector<16xi32>,
    %get3A_134 = arith.constant 1 : i32
    %get3A_135 = arith.index_cast %get3A_134 : i32 to index
    %get3A_136 = arith.constant 64 : index
    %get3A_137 = tpu.vector_load %arg5[%get3A_135, %get3A_136] {strides = array<i32>} : memref<200x128xi32, #tpu.memory_space<vmem>>, vector<16xi32>,
    %shift_right_logical3A_138 = arith.constant 2 : i32
    %shift_right_logical3A_139 = vector.broadcast %shift_right_logical3A_138 : i32 to vector<16xi32>
    %shift_right_logical3A_140 = arith.shrui %get3A_137, %shift_right_logical3A_139 : vector<16xi32>
    %swap3A_141 = arith.constant 64 : index
    %swap3A_142 = tpu.vector_load %arg7[%swap3A_141] {strides = array<i32>} : memref<128xi32, #tpu.memory_space<vmem>>, vector<16xi32>,
    tpu.vector_store %arg7[%swap3A_141], %shift_right_logical3A_140 {strides = array<i32>} : memref<128xi32, #tpu.memory_space<vmem>>, vector<16xi32>,
    %get3A_143 = arith.constant 1 : i32
    %get3A_144 = arith.index_cast %get3A_143 : i32 to index
    %get3A_145 = arith.constant 80 : index
    %get3A_146 = tpu.vector_load %arg5[%get3A_144, %get3A_145] {strides = array<i32>} : memref<200x128xi32, #tpu.memory_space<vmem>>, vector<16xi32>,
    %shift_right_logical3A_147 = arith.constant 2 : i32
    %shift_right_logical3A_148 = vector.broadcast %shift_right_logical3A_147 : i32 to vector<16xi32>
    %shift_right_logical3A_149 = arith.shrui %get3A_146, %shift_right_logical3A_148 : vector<16xi32>
    %swap3A_150 = arith.constant 80 : index
    %swap3A_151 = tpu.vector_load %arg7[%swap3A_150] {strides = array<i32>} : memref<128xi32, #tpu.memory_space<vmem>>, vector<16xi32>,
    tpu.vector_store %arg7[%swap3A_150], %shift_right_logical3A_149 {strides = array<i32>} : memref<128xi32, #tpu.memory_space<vmem>>, vector<16xi32>,
    %get3A_152 = arith.constant 1 : i32
    %get3A_153 = arith.index_cast %get3A_152 : i32 to index
    %get3A_154 = arith.constant 96 : index
    %get3A_155 = tpu.vector_load %arg5[%get3A_153, %get3A_154] {strides = array<i32>} : memref<200x128xi32, #tpu.memory_space<vmem>>, vector<16xi32>,
    %shift_right_logical3A_156 = arith.constant 2 : i32
    %shift_right_logical3A_157 = vector.broadcast %shift_right_logical3A_156 : i32 to vector<16xi32>
    %shift_right_logical3A_158 = arith.shrui %get3A_155, %shift_right_logical3A_157 : vector<16xi32>
    %swap3A_159 = arith.constant 96 : index
    %swap3A_160 = tpu.vector_load %arg7[%swap3A_159] {strides = array<i32>} : memref<128xi32, #tpu.memory_space<vmem>>, vector<16xi32>,
    tpu.vector_store %arg7[%swap3A_159], %shift_right_logical3A_158 {strides = array<i32>} : memref<128xi32, #tpu.memory_space<vmem>>, vector<16xi32>,
    %get3A_161 = arith.constant 1 : i32
    %get3A_162 = arith.index_cast %get3A_161 : i32 to index
    %get3A_163 = arith.constant 112 : index
    %get3A_164 = tpu.vector_load %arg5[%get3A_162, %get3A_163] {strides = array<i32>} : memref<200x128xi32, #tpu.memory_space<vmem>>, vector<16xi32>,
    %shift_right_logical3A_165 = arith.constant 2 : i32
    %shift_right_logical3A_166 = vector.broadcast %shift_right_logical3A_165 : i32 to vector<16xi32>
    %shift_right_logical3A_167 = arith.shrui %get3A_164, %shift_right_logical3A_166 : vector<16xi32>
    %swap3A_168 = arith.constant 112 : index
    %swap3A_169 = tpu.vector_load %arg7[%swap3A_168] {strides = array<i32>} : memref<128xi32, #tpu.memory_space<vmem>>, vector<16xi32>,
    tpu.vector_store %arg7[%swap3A_168], %shift_right_logical3A_167 {strides = array<i32>} : memref<128xi32, #tpu.memory_space<vmem>>, vector<16xi32>,
    %dma_start3A_170 = arith.constant 0 : i32
    %dma_start3A_171 = arith.constant 0 : i32
    %dma_start3A_172 = tpu.memref_slice %arg3[%dma_start3A_170, %dma_start3A_171] : memref<250000x128xf32, #tpu.memory_space<hbm>> -> memref<250000x128xf32, #tpu.memory_space<hbm>>
    tpu.enqueue_indirect_dma source(%dma_start3A_172 : memref<250000x128xf32, #tpu.memory_space<hbm>>) target(%arg9 : memref<128x128xf32, #tpu.memory_space<vmem>>) offsets(%arg7 : memref<128xi32, #tpu.memory_space<vmem>>) semaphore(%arg13 : memref<!tpu.dma_semaphore, #tpu.memory_space<semaphore_mem>>)
    %scan3A = arith.constant 0 : i32
    %scan3A_173 = arith.constant 0 : i32
    %scan3A_174 = arith.constant 100 : i32
    %scan3A_175 = arith.addi %scan3A_173, %scan3A_174 : i32
    %scan3A_176 = arith.constant 1 : i32
    %scan3A_177 = scf.for %scan3A_192 = %scan3A_173 to %scan3A_175 step %scan3A_176 iter_args(%scan3A_193 = %scan3A) -> (i32)  : i32 {
      %mul3A_194 = arith.constant 2 : i32
      %mul3A_195 = arith.muli %scan3A_192, %mul3A_194 : i32
      %add3A_196 = arith.constant 0 : i32
      %add3A_197 = arith.addi %mul3A_195, %add3A_196 : i32
      %dma_wait3A_198 = arith.constant 0 : i32
      %dma_wait3A_199 = arith.constant 0 : i32
      %dma_wait3A_200 = tpu.memref_slice %arg3[%dma_wait3A_198, %dma_wait3A_199] : memref<250000x128xf32, #tpu.memory_space<hbm>> -> memref<250000x128xf32, #tpu.memory_space<hbm>>
      tpu.wait_indirect_dma semaphore(%arg12 : memref<!tpu.dma_semaphore, #tpu.memory_space<semaphore_mem>>) src(%dma_wait3A_200 : memref<250000x128xf32, #tpu.memory_space<hbm>>) dst(%arg8 : memref<128x128xf32, #tpu.memory_space<vmem>>)
      %ge3A = arith.constant 1 : i32
      %ge3A_201 = arith.cmpi sge, %scan3A_192, %ge3A : i32
      %convert_element_type3A = arith.extui %ge3A_201 : i1 to i32
      %cond3A = arith.constant 0 : i32
      %cond3A_202 = arith.cmpi ne, %convert_element_type3A, %cond3A : i32
      scf.if %cond3A_202 {
        %sub3A = arith.constant 2 : i32
        %sub3A_379 = arith.subi %add3A_197, %sub3A : i32
        %dma_wait3A_380 = arith.constant 0 : i32
        %dma_wait3A_381 = tpu.memref_slice %arg4[%sub3A_379, %dma_wait3A_380, %mul3A_2] : memref<200x32x4096xf32, #tpu.memory_space<hbm>> -> memref<1x32x128xf32, #tpu.memory_space<hbm>>
        %dma_wait3A_382 = tpu.memref_squeeze %dma_wait3A_381 : memref<1x32x128xf32, #tpu.memory_space<hbm>> -> memref<32x128xf32, #tpu.memory_space<hbm>>
        %dma_wait3A_383 = arith.constant 0 : i32
        %dma_wait3A_384 = tpu.memref_slice %arg4[%sub3A_379, %dma_wait3A_383, %mul3A_2] : memref<200x32x4096xf32, #tpu.memory_space<hbm>> -> memref<1x32x128xf32, #tpu.memory_space<hbm>>
        %dma_wait3A_385 = tpu.memref_squeeze %dma_wait3A_384 : memref<1x32x128xf32, #tpu.memory_space<hbm>> -> memref<32x128xf32, #tpu.memory_space<hbm>>
        tpu.wait_dma2 semaphore(%arg14 : memref<!tpu.dma_semaphore, #tpu.memory_space<semaphore_mem>>) src(%arg10 : memref<32x128xf32, #tpu.memory_space<vmem>>) dst(%dma_wait3A_385 : memref<32x128xf32, #tpu.memory_space<hbm>>)
      } else {
      }
      %get3A_203 = arith.index_cast %add3A_197 : i32 to index
      %get3A_204 = arith.constant 0 : index
      %get3A_205 = tpu.vector_load %arg5[%get3A_203, %get3A_204] {strides = array<i32>} : memref<200x128xi32, #tpu.memory_space<vmem>>, vector<16xi32>,
      %and3A = arith.constant 3 : i32
      %and3A_206 = vector.broadcast %and3A : i32 to vector<16xi32>
      %and3A_207 = arith.andi %get3A_205, %and3A_206 : vector<16xi32>
      %shift_left3A = arith.constant 5 : i32
      %shift_left3A_208 = vector.broadcast %shift_left3A : i32 to vector<16xi32>
      %shift_left3A_209 = arith.shli %and3A_207, %shift_left3A_208 : vector<16xi32>
      %get3A_210 = arith.index_cast %add3A_197 : i32 to index
      %get3A_211 = arith.constant 16 : index
      %get3A_212 = tpu.vector_load %arg5[%get3A_210, %get3A_211] {strides = array<i32>} : memref<200x128xi32, #tpu.memory_space<vmem>>, vector<16xi32>,
      %and3A_213 = arith.constant 3 : i32
      %and3A_214 = vector.broadcast %and3A_213 : i32 to vector<16xi32>
      %and3A_215 = arith.andi %get3A_212, %and3A_214 : vector<16xi32>
      %shift_left3A_216 = arith.constant 5 : i32
      %shift_left3A_217 = vector.broadcast %shift_left3A_216 : i32 to vector<16xi32>
      %shift_left3A_218 = arith.shli %and3A_215, %shift_left3A_217 : vector<16xi32>
      %get3A_219 = arith.index_cast %add3A_197 : i32 to index
      %get3A_220 = arith.constant 32 : index
      %get3A_221 = tpu.vector_load %arg5[%get3A_219, %get3A_220] {strides = array<i32>} : memref<200x128xi32, #tpu.memory_space<vmem>>, vector<16xi32>,
      %and3A_222 = arith.constant 3 : i32
      %and3A_223 = vector.broadcast %and3A_222 : i32 to vector<16xi32>
      %and3A_224 = arith.andi %get3A_221, %and3A_223 : vector<16xi32>
      %shift_left3A_225 = arith.constant 5 : i32
      %shift_left3A_226 = vector.broadcast %shift_left3A_225 : i32 to vector<16xi32>
      %shift_left3A_227 = arith.shli %and3A_224, %shift_left3A_226 : vector<16xi32>
      %get3A_228 = arith.index_cast %add3A_197 : i32 to index
      %get3A_229 = arith.constant 48 : index
      %get3A_230 = tpu.vector_load %arg5[%get3A_228, %get3A_229] {strides = array<i32>} : memref<200x128xi32, #tpu.memory_space<vmem>>, vector<16xi32>,
      %and3A_231 = arith.constant 3 : i32
      %and3A_232 = vector.broadcast %and3A_231 : i32 to vector<16xi32>
      %and3A_233 = arith.andi %get3A_230, %and3A_232 : vector<16xi32>
      %shift_left3A_234 = arith.constant 5 : i32
      %shift_left3A_235 = vector.broadcast %shift_left3A_234 : i32 to vector<16xi32>
      %shift_left3A_236 = arith.shli %and3A_233, %shift_left3A_235 : vector<16xi32>
      %get3A_237 = arith.index_cast %add3A_197 : i32 to index
      %get3A_238 = arith.constant 64 : index
      %get3A_239 = tpu.vector_load %arg5[%get3A_237, %get3A_238] {strides = array<i32>} : memref<200x128xi32, #tpu.memory_space<vmem>>, vector<16xi32>,
      %and3A_240 = arith.constant 3 : i32
      %and3A_241 = vector.broadcast %and3A_240 : i32 to vector<16xi32>
      %and3A_242 = arith.andi %get3A_239, %and3A_241 : vector<16xi32>
      %shift_left3A_243 = arith.constant 5 : i32
      %shift_left3A_244 = vector.broadcast %shift_left3A_243 : i32 to vector<16xi32>
      %shift_left3A_245 = arith.shli %and3A_242, %shift_left3A_244 : vector<16xi32>
      %get3A_246 = arith.index_cast %add3A_197 : i32 to index
      %get3A_247 = arith.constant 80 : index
      %get3A_248 = tpu.vector_load %arg5[%get3A_246, %get3A_247] {strides = array<i32>} : memref<200x128xi32, #tpu.memory_space<vmem>>, vector<16xi32>,
      %and3A_249 = arith.constant 3 : i32
      %and3A_250 = vector.broadcast %and3A_249 : i32 to vector<16xi32>
      %and3A_251 = arith.andi %get3A_248, %and3A_250 : vector<16xi32>
      %shift_left3A_252 = arith.constant 5 : i32
      %shift_left3A_253 = vector.broadcast %shift_left3A_252 : i32 to vector<16xi32>
      %shift_left3A_254 = arith.shli %and3A_251, %shift_left3A_253 : vector<16xi32>
      %get3A_255 = arith.index_cast %add3A_197 : i32 to index
      %get3A_256 = arith.constant 96 : index
      %get3A_257 = tpu.vector_load %arg5[%get3A_255, %get3A_256] {strides = array<i32>} : memref<200x128xi32, #tpu.memory_space<vmem>>, vector<16xi32>,
      %and3A_258 = arith.constant 3 : i32
      %and3A_259 = vector.broadcast %and3A_258 : i32 to vector<16xi32>
      %and3A_260 = arith.andi %get3A_257, %and3A_259 : vector<16xi32>
      %shift_left3A_261 = arith.constant 5 : i32
      %shift_left3A_262 = vector.broadcast %shift_left3A_261 : i32 to vector<16xi32>
      %shift_left3A_263 = arith.shli %and3A_260, %shift_left3A_262 : vector<16xi32>
      %get3A_264 = arith.index_cast %add3A_197 : i32 to index
      %get3A_265 = arith.constant 112 : index
      %get3A_266 = tpu.vector_load %arg5[%get3A_264, %get3A_265] {strides = array<i32>} : memref<200x128xi32, #tpu.memory_space<vmem>>, vector<16xi32>,
      %and3A_267 = arith.constant 3 : i32
      %and3A_268 = vector.broadcast %and3A_267 : i32 to vector<16xi32>
      %and3A_269 = arith.andi %get3A_266, %and3A_268 : vector<16xi32>
      %shift_left3A_270 = arith.constant 5 : i32
      %shift_left3A_271 = vector.broadcast %shift_left3A_270 : i32 to vector<16xi32>
      %shift_left3A_272 = arith.shli %and3A_269, %shift_left3A_271 : vector<16xi32>
      %dma_start3A_273 = arith.constant 0 : i32
      %dma_start3A_274 = tpu.memref_slice %arg4[%add3A_197, %dma_start3A_273, %mul3A_2] : memref<200x32x4096xf32, #tpu.memory_space<hbm>> -> memref<1x32x128xf32, #tpu.memory_space<hbm>>
      %dma_start3A_275 = tpu.memref_squeeze %dma_start3A_274 : memref<1x32x128xf32, #tpu.memory_space<hbm>> -> memref<32x128xf32, #tpu.memory_space<hbm>>
      %dma_start3A_276 = arith.constant 0 : i32
      %dma_start3A_277 = tpu.memref_slice %arg4[%add3A_197, %dma_start3A_276, %mul3A_2] : memref<200x32x4096xf32, #tpu.memory_space<hbm>> -> memref<1x32x128xf32, #tpu.memory_space<hbm>>
      %dma_start3A_278 = tpu.memref_squeeze %dma_start3A_277 : memref<1x32x128xf32, #tpu.memory_space<hbm>> -> memref<32x128xf32, #tpu.memory_space<hbm>>
      tpu.enqueue_dma source(%arg10 : memref<32x128xf32, #tpu.memory_space<vmem>>) target(%dma_start3A_278 : memref<32x128xf32, #tpu.memory_space<hbm>>) target_semaphore(%arg14 : memref<!tpu.dma_semaphore, #tpu.memory_space<semaphore_mem>>)
      %lt3A = arith.constant 99 : i32
      %lt3A_279 = arith.cmpi slt, %scan3A_192, %lt3A : i32
      %convert_element_type3A_280 = arith.extui %lt3A_279 : i1 to i32
      %cond3A_281 = arith.constant 0 : i32
      %cond3A_282 = arith.cmpi ne, %convert_element_type3A_280, %cond3A_281 : i32
      scf.if %cond3A_282 {
        %add3A_379 = arith.constant 2 : i32
        %add3A_380 = arith.addi %add3A_197, %add3A_379 : i32
        %get3A_381 = arith.index_cast %add3A_380 : i32 to index
        %get3A_382 = arith.constant 0 : index
        %get3A_383 = tpu.vector_load %arg5[%get3A_381, %get3A_382] {strides = array<i32>} : memref<200x128xi32, #tpu.memory_space<vmem>>, vector<16xi32>,
        %shift_right_logical3A_384 = arith.constant 2 : i32
        %shift_right_logical3A_385 = vector.broadcast %shift_right_logical3A_384 : i32 to vector<16xi32>
        %shift_right_logical3A_386 = arith.shrui %get3A_383, %shift_right_logical3A_385 : vector<16xi32>
        %swap3A_387 = arith.constant 0 : index
        %swap3A_388 = tpu.vector_load %arg6[%swap3A_387] {strides = array<i32>} : memref<128xi32, #tpu.memory_space<vmem>>, vector<16xi32>,
        tpu.vector_store %arg6[%swap3A_387], %shift_right_logical3A_386 {strides = array<i32>} : memref<128xi32, #tpu.memory_space<vmem>>, vector<16xi32>,
        %get3A_389 = arith.index_cast %add3A_380 : i32 to index
        %get3A_390 = arith.constant 16 : index
        %get3A_391 = tpu.vector_load %arg5[%get3A_389, %get3A_390] {strides = array<i32>} : memref<200x128xi32, #tpu.memory_space<vmem>>, vector<16xi32>,
        %shift_right_logical3A_392 = arith.constant 2 : i32
        %shift_right_logical3A_393 = vector.broadcast %shift_right_logical3A_392 : i32 to vector<16xi32>
        %shift_right_logical3A_394 = arith.shrui %get3A_391, %shift_right_logical3A_393 : vector<16xi32>
        %swap3A_395 = arith.constant 16 : index
        %swap3A_396 = tpu.vector_load %arg6[%swap3A_395] {strides = array<i32>} : memref<128xi32, #tpu.memory_space<vmem>>, vector<16xi32>,
        tpu.vector_store %arg6[%swap3A_395], %shift_right_logical3A_394 {strides = array<i32>} : memref<128xi32, #tpu.memory_space<vmem>>, vector<16xi32>,
        %get3A_397 = arith.index_cast %add3A_380 : i32 to index
        %get3A_398 = arith.constant 32 : index
        %get3A_399 = tpu.vector_load %arg5[%get3A_397, %get3A_398] {strides = array<i32>} : memref<200x128xi32, #tpu.memory_space<vmem>>, vector<16xi32>,
        %shift_right_logical3A_400 = arith.constant 2 : i32
        %shift_right_logical3A_401 = vector.broadcast %shift_right_logical3A_400 : i32 to vector<16xi32>
        %shift_right_logical3A_402 = arith.shrui %get3A_399, %shift_right_logical3A_401 : vector<16xi32>
        %swap3A_403 = arith.constant 32 : index
        %swap3A_404 = tpu.vector_load %arg6[%swap3A_403] {strides = array<i32>} : memref<128xi32, #tpu.memory_space<vmem>>, vector<16xi32>,
        tpu.vector_store %arg6[%swap3A_403], %shift_right_logical3A_402 {strides = array<i32>} : memref<128xi32, #tpu.memory_space<vmem>>, vector<16xi32>,
        %get3A_405 = arith.index_cast %add3A_380 : i32 to index
        %get3A_406 = arith.constant 48 : index
        %get3A_407 = tpu.vector_load %arg5[%get3A_405, %get3A_406] {strides = array<i32>} : memref<200x128xi32, #tpu.memory_space<vmem>>, vector<16xi32>,
        %shift_right_logical3A_408 = arith.constant 2 : i32
        %shift_right_logical3A_409 = vector.broadcast %shift_right_logical3A_408 : i32 to vector<16xi32>
        %shift_right_logical3A_410 = arith.shrui %get3A_407, %shift_right_logical3A_409 : vector<16xi32>
        %swap3A_411 = arith.constant 48 : index
        %swap3A_412 = tpu.vector_load %arg6[%swap3A_411] {strides = array<i32>} : memref<128xi32, #tpu.memory_space<vmem>>, vector<16xi32>,
        tpu.vector_store %arg6[%swap3A_411], %shift_right_logical3A_410 {strides = array<i32>} : memref<128xi32, #tpu.memory_space<vmem>>, vector<16xi32>,
        %get3A_413 = arith.index_cast %add3A_380 : i32 to index
        %get3A_414 = arith.constant 64 : index
        %get3A_415 = tpu.vector_load %arg5[%get3A_413, %get3A_414] {strides = array<i32>} : memref<200x128xi32, #tpu.memory_space<vmem>>, vector<16xi32>,
        %shift_right_logical3A_416 = arith.constant 2 : i32
        %shift_right_logical3A_417 = vector.broadcast %shift_right_logical3A_416 : i32 to vector<16xi32>
        %shift_right_logical3A_418 = arith.shrui %get3A_415, %shift_right_logical3A_417 : vector<16xi32>
        %swap3A_419 = arith.constant 64 : index
        %swap3A_420 = tpu.vector_load %arg6[%swap3A_419] {strides = array<i32>} : memref<128xi32, #tpu.memory_space<vmem>>, vector<16xi32>,
        tpu.vector_store %arg6[%swap3A_419], %shift_right_logical3A_418 {strides = array<i32>} : memref<128xi32, #tpu.memory_space<vmem>>, vector<16xi32>,
        %get3A_421 = arith.index_cast %add3A_380 : i32 to index
        %get3A_422 = arith.constant 80 : index
        %get3A_423 = tpu.vector_load %arg5[%get3A_421, %get3A_422] {strides = array<i32>} : memref<200x128xi32, #tpu.memory_space<vmem>>, vector<16xi32>,
        %shift_right_logical3A_424 = arith.constant 2 : i32
        %shift_right_logical3A_425 = vector.broadcast %shift_right_logical3A_424 : i32 to vector<16xi32>
        %shift_right_logical3A_426 = arith.shrui %get3A_423, %shift_right_logical3A_425 : vector<16xi32>
        %swap3A_427 = arith.constant 80 : index
        %swap3A_428 = tpu.vector_load %arg6[%swap3A_427] {strides = array<i32>} : memref<128xi32, #tpu.memory_space<vmem>>, vector<16xi32>,
        tpu.vector_store %arg6[%swap3A_427], %shift_right_logical3A_426 {strides = array<i32>} : memref<128xi32, #tpu.memory_space<vmem>>, vector<16xi32>,
        %get3A_429 = arith.index_cast %add3A_380 : i32 to index
        %get3A_430 = arith.constant 96 : index
        %get3A_431 = tpu.vector_load %arg5[%get3A_429, %get3A_430] {strides = array<i32>} : memref<200x128xi32, #tpu.memory_space<vmem>>, vector<16xi32>,
        %shift_right_logical3A_432 = arith.constant 2 : i32
        %shift_right_logical3A_433 = vector.broadcast %shift_right_logical3A_432 : i32 to vector<16xi32>
        %shift_right_logical3A_434 = arith.shrui %get3A_431, %shift_right_logical3A_433 : vector<16xi32>
        %swap3A_435 = arith.constant 96 : index
        %swap3A_436 = tpu.vector_load %arg6[%swap3A_435] {strides = array<i32>} : memref<128xi32, #tpu.memory_space<vmem>>, vector<16xi32>,
        tpu.vector_store %arg6[%swap3A_435], %shift_right_logical3A_434 {strides = array<i32>} : memref<128xi32, #tpu.memory_space<vmem>>, vector<16xi32>,
        %get3A_437 = arith.index_cast %add3A_380 : i32 to index
        %get3A_438 = arith.constant 112 : index
        %get3A_439 = tpu.vector_load %arg5[%get3A_437, %get3A_438] {strides = array<i32>} : memref<200x128xi32, #tpu.memory_space<vmem>>, vector<16xi32>,
        %shift_right_logical3A_440 = arith.constant 2 : i32
        %shift_right_logical3A_441 = vector.broadcast %shift_right_logical3A_440 : i32 to vector<16xi32>
        %shift_right_logical3A_442 = arith.shrui %get3A_439, %shift_right_logical3A_441 : vector<16xi32>
        %swap3A_443 = arith.constant 112 : index
        %swap3A_444 = tpu.vector_load %arg6[%swap3A_443] {strides = array<i32>} : memref<128xi32, #tpu.memory_space<vmem>>, vector<16xi32>,
        tpu.vector_store %arg6[%swap3A_443], %shift_right_logical3A_442 {strides = array<i32>} : memref<128xi32, #tpu.memory_space<vmem>>, vector<16xi32>,
        %dma_start3A_445 = arith.constant 0 : i32
        %dma_start3A_446 = arith.constant 0 : i32
        %dma_start3A_447 = tpu.memref_slice %arg3[%dma_start3A_445, %dma_start3A_446] : memref<250000x128xf32, #tpu.memory_space<hbm>> -> memref<250000x128xf32, #tpu.memory_space<hbm>>
        tpu.enqueue_indirect_dma source(%dma_start3A_447 : memref<250000x128xf32, #tpu.memory_space<hbm>>) target(%arg8 : memref<128x128xf32, #tpu.memory_space<vmem>>) offsets(%arg6 : memref<128xi32, #tpu.memory_space<vmem>>) semaphore(%arg12 : memref<!tpu.dma_semaphore, #tpu.memory_space<semaphore_mem>>)
      } else {
      }
      %mul3A_283 = arith.constant 2 : i32
      %mul3A_284 = arith.muli %scan3A_192, %mul3A_283 : i32
      %add3A_285 = arith.constant 1 : i32
      %add3A_286 = arith.addi %mul3A_284, %add3A_285 : i32
      %dma_wait3A_287 = arith.constant 0 : i32
      %dma_wait3A_288 = arith.constant 0 : i32
      %dma_wait3A_289 = tpu.memref_slice %arg3[%dma_wait3A_287, %dma_wait3A_288] : memref<250000x128xf32, #tpu.memory_space<hbm>> -> memref<250000x128xf32, #tpu.memory_space<hbm>>
      tpu.wait_indirect_dma semaphore(%arg13 : memref<!tpu.dma_semaphore, #tpu.memory_space<semaphore_mem>>) src(%dma_wait3A_289 : memref<250000x128xf32, #tpu.memory_space<hbm>>) dst(%arg9 : memref<128x128xf32, #tpu.memory_space<vmem>>)
      %ge3A_290 = arith.constant 1 : i32
      %ge3A_291 = arith.cmpi sge, %scan3A_192, %ge3A_290 : i32
      %convert_element_type3A_292 = arith.extui %ge3A_291 : i1 to i32
      %cond3A_293 = arith.constant 0 : i32
      %cond3A_294 = arith.cmpi ne, %convert_element_type3A_292, %cond3A_293 : i32
      scf.if %cond3A_294 {
        %sub3A = arith.constant 2 : i32
        %sub3A_379 = arith.subi %add3A_286, %sub3A : i32
        %dma_wait3A_380 = arith.constant 0 : i32
        %dma_wait3A_381 = tpu.memref_slice %arg4[%sub3A_379, %dma_wait3A_380, %mul3A_2] : memref<200x32x4096xf32, #tpu.memory_space<hbm>> -> memref<1x32x128xf32, #tpu.memory_space<hbm>>
        %dma_wait3A_382 = tpu.memref_squeeze %dma_wait3A_381 : memref<1x32x128xf32, #tpu.memory_space<hbm>> -> memref<32x128xf32, #tpu.memory_space<hbm>>
        %dma_wait3A_383 = arith.constant 0 : i32
        %dma_wait3A_384 = tpu.memref_slice %arg4[%sub3A_379, %dma_wait3A_383, %mul3A_2] : memref<200x32x4096xf32, #tpu.memory_space<hbm>> -> memref<1x32x128xf32, #tpu.memory_space<hbm>>
        %dma_wait3A_385 = tpu.memref_squeeze %dma_wait3A_384 : memref<1x32x128xf32, #tpu.memory_space<hbm>> -> memref<32x128xf32, #tpu.memory_space<hbm>>
        tpu.wait_dma2 semaphore(%arg15 : memref<!tpu.dma_semaphore, #tpu.memory_space<semaphore_mem>>) src(%arg11 : memref<32x128xf32, #tpu.memory_space<vmem>>) dst(%dma_wait3A_385 : memref<32x128xf32, #tpu.memory_space<hbm>>)
      } else {
      }
      %get3A_295 = arith.index_cast %add3A_286 : i32 to index
      %get3A_296 = arith.constant 0 : index
      %get3A_297 = tpu.vector_load %arg5[%get3A_295, %get3A_296] {strides = array<i32>} : memref<200x128xi32, #tpu.memory_space<vmem>>, vector<16xi32>,
      %and3A_298 = arith.constant 3 : i32
      %and3A_299 = vector.broadcast %and3A_298 : i32 to vector<16xi32>
      %and3A_300 = arith.andi %get3A_297, %and3A_299 : vector<16xi32>
      %shift_left3A_301 = arith.constant 5 : i32
      %shift_left3A_302 = vector.broadcast %shift_left3A_301 : i32 to vector<16xi32>
      %shift_left3A_303 = arith.shli %and3A_300, %shift_left3A_302 : vector<16xi32>
      %get3A_304 = arith.index_cast %add3A_286 : i32 to index
      %get3A_305 = arith.constant 16 : index
      %get3A_306 = tpu.vector_load %arg5[%get3A_304, %get3A_305] {strides = array<i32>} : memref<200x128xi32, #tpu.memory_space<vmem>>, vector<16xi32>,
      %and3A_307 = arith.constant 3 : i32
      %and3A_308 = vector.broadcast %and3A_307 : i32 to vector<16xi32>
      %and3A_309 = arith.andi %get3A_306, %and3A_308 : vector<16xi32>
      %shift_left3A_310 = arith.constant 5 : i32
      %shift_left3A_311 = vector.broadcast %shift_left3A_310 : i32 to vector<16xi32>
      %shift_left3A_312 = arith.shli %and3A_309, %shift_left3A_311 : vector<16xi32>
      %get3A_313 = arith.index_cast %add3A_286 : i32 to index
      %get3A_314 = arith.constant 32 : index
      %get3A_315 = tpu.vector_load %arg5[%get3A_313, %get3A_314] {strides = array<i32>} : memref<200x128xi32, #tpu.memory_space<vmem>>, vector<16xi32>,
      %and3A_316 = arith.constant 3 : i32
      %and3A_317 = vector.broadcast %and3A_316 : i32 to vector<16xi32>
      %and3A_318 = arith.andi %get3A_315, %and3A_317 : vector<16xi32>
      %shift_left3A_319 = arith.constant 5 : i32
      %shift_left3A_320 = vector.broadcast %shift_left3A_319 : i32 to vector<16xi32>
      %shift_left3A_321 = arith.shli %and3A_318, %shift_left3A_320 : vector<16xi32>
      %get3A_322 = arith.index_cast %add3A_286 : i32 to index
      %get3A_323 = arith.constant 48 : index
      %get3A_324 = tpu.vector_load %arg5[%get3A_322, %get3A_323] {strides = array<i32>} : memref<200x128xi32, #tpu.memory_space<vmem>>, vector<16xi32>,
      %and3A_325 = arith.constant 3 : i32
      %and3A_326 = vector.broadcast %and3A_325 : i32 to vector<16xi32>
      %and3A_327 = arith.andi %get3A_324, %and3A_326 : vector<16xi32>
      %shift_left3A_328 = arith.constant 5 : i32
      %shift_left3A_329 = vector.broadcast %shift_left3A_328 : i32 to vector<16xi32>
      %shift_left3A_330 = arith.shli %and3A_327, %shift_left3A_329 : vector<16xi32>
      %get3A_331 = arith.index_cast %add3A_286 : i32 to index
      %get3A_332 = arith.constant 64 : index
      %get3A_333 = tpu.vector_load %arg5[%get3A_331, %get3A_332] {strides = array<i32>} : memref<200x128xi32, #tpu.memory_space<vmem>>, vector<16xi32>,
      %and3A_334 = arith.constant 3 : i32
      %and3A_335 = vector.broadcast %and3A_334 : i32 to vector<16xi32>
      %and3A_336 = arith.andi %get3A_333, %and3A_335 : vector<16xi32>
      %shift_left3A_337 = arith.constant 5 : i32
      %shift_left3A_338 = vector.broadcast %shift_left3A_337 : i32 to vector<16xi32>
      %shift_left3A_339 = arith.shli %and3A_336, %shift_left3A_338 : vector<16xi32>
      %get3A_340 = arith.index_cast %add3A_286 : i32 to index
      %get3A_341 = arith.constant 80 : index
      %get3A_342 = tpu.vector_load %arg5[%get3A_340, %get3A_341] {strides = array<i32>} : memref<200x128xi32, #tpu.memory_space<vmem>>, vector<16xi32>,
      %and3A_343 = arith.constant 3 : i32
      %and3A_344 = vector.broadcast %and3A_343 : i32 to vector<16xi32>
      %and3A_345 = arith.andi %get3A_342, %and3A_344 : vector<16xi32>
      %shift_left3A_346 = arith.constant 5 : i32
      %shift_left3A_347 = vector.broadcast %shift_left3A_346 : i32 to vector<16xi32>
      %shift_left3A_348 = arith.shli %and3A_345, %shift_left3A_347 : vector<16xi32>
      %get3A_349 = arith.index_cast %add3A_286 : i32 to index
      %get3A_350 = arith.constant 96 : index
      %get3A_351 = tpu.vector_load %arg5[%get3A_349, %get3A_350] {strides = array<i32>} : memref<200x128xi32, #tpu.memory_space<vmem>>, vector<16xi32>,
      %and3A_352 = arith.constant 3 : i32
      %and3A_353 = vector.broadcast %and3A_352 : i32 to vector<16xi32>
      %and3A_354 = arith.andi %get3A_351, %and3A_353 : vector<16xi32>
      %shift_left3A_355 = arith.constant 5 : i32
      %shift_left3A_356 = vector.broadcast %shift_left3A_355 : i32 to vector<16xi32>
      %shift_left3A_357 = arith.shli %and3A_354, %shift_left3A_356 : vector<16xi32>
      %get3A_358 = arith.index_cast %add3A_286 : i32 to index
      %get3A_359 = arith.constant 112 : index
      %get3A_360 = tpu.vector_load %arg5[%get3A_358, %get3A_359] {strides = array<i32>} : memref<200x128xi32, #tpu.memory_space<vmem>>, vector<16xi32>,
      %and3A_361 = arith.constant 3 : i32
      %and3A_362 = vector.broadcast %and3A_361 : i32 to vector<16xi32>
      %and3A_363 = arith.andi %get3A_360, %and3A_362 : vector<16xi32>
      %shift_left3A_364 = arith.constant 5 : i32
      %shift_left3A_365 = vector.broadcast %shift_left3A_364 : i32 to vector<16xi32>
      %shift_left3A_366 = arith.shli %and3A_363, %shift_left3A_365 : vector<16xi32>
      %dma_start3A_367 = arith.constant 0 : i32
      %dma_start3A_368 = tpu.memref_slice %arg4[%add3A_286, %dma_start3A_367, %mul3A_2] : memref<200x32x4096xf32, #tpu.memory_space<hbm>> -> memref<1x32x128xf32, #tpu.memory_space<hbm>>
      %dma_start3A_369 = tpu.memref_squeeze %dma_start3A_368 : memref<1x32x128xf32, #tpu.memory_space<hbm>> -> memref<32x128xf32, #tpu.memory_space<hbm>>
      %dma_start3A_370 = arith.constant 0 : i32
      %dma_start3A_371 = tpu.memref_slice %arg4[%add3A_286, %dma_start3A_370, %mul3A_2] : memref<200x32x4096xf32, #tpu.memory_space<hbm>> -> memref<1x32x128xf32, #tpu.memory_space<hbm>>
      %dma_start3A_372 = tpu.memref_squeeze %dma_start3A_371 : memref<1x32x128xf32, #tpu.memory_space<hbm>> -> memref<32x128xf32, #tpu.memory_space<hbm>>
      tpu.enqueue_dma source(%arg11 : memref<32x128xf32, #tpu.memory_space<vmem>>) target(%dma_start3A_372 : memref<32x128xf32, #tpu.memory_space<hbm>>) target_semaphore(%arg15 : memref<!tpu.dma_semaphore, #tpu.memory_space<semaphore_mem>>)
      %lt3A_373 = arith.constant 99 : i32
      %lt3A_374 = arith.cmpi slt, %scan3A_192, %lt3A_373 : i32
      %convert_element_type3A_375 = arith.extui %lt3A_374 : i1 to i32
      %cond3A_376 = arith.constant 0 : i32
      %cond3A_377 = arith.cmpi ne, %convert_element_type3A_375, %cond3A_376 : i32
      scf.if %cond3A_377 {
        %add3A_379 = arith.constant 2 : i32
        %add3A_380 = arith.addi %add3A_286, %add3A_379 : i32
        %get3A_381 = arith.index_cast %add3A_380 : i32 to index
        %get3A_382 = arith.constant 0 : index
        %get3A_383 = tpu.vector_load %arg5[%get3A_381, %get3A_382] {strides = array<i32>} : memref<200x128xi32, #tpu.memory_space<vmem>>, vector<16xi32>,
        %shift_right_logical3A_384 = arith.constant 2 : i32
        %shift_right_logical3A_385 = vector.broadcast %shift_right_logical3A_384 : i32 to vector<16xi32>
        %shift_right_logical3A_386 = arith.shrui %get3A_383, %shift_right_logical3A_385 : vector<16xi32>
        %swap3A_387 = arith.constant 0 : index
        %swap3A_388 = tpu.vector_load %arg7[%swap3A_387] {strides = array<i32>} : memref<128xi32, #tpu.memory_space<vmem>>, vector<16xi32>,
        tpu.vector_store %arg7[%swap3A_387], %shift_right_logical3A_386 {strides = array<i32>} : memref<128xi32, #tpu.memory_space<vmem>>, vector<16xi32>,
        %get3A_389 = arith.index_cast %add3A_380 : i32 to index
        %get3A_390 = arith.constant 16 : index
        %get3A_391 = tpu.vector_load %arg5[%get3A_389, %get3A_390] {strides = array<i32>} : memref<200x128xi32, #tpu.memory_space<vmem>>, vector<16xi32>,
        %shift_right_logical3A_392 = arith.constant 2 : i32
        %shift_right_logical3A_393 = vector.broadcast %shift_right_logical3A_392 : i32 to vector<16xi32>
        %shift_right_logical3A_394 = arith.shrui %get3A_391, %shift_right_logical3A_393 : vector<16xi32>
        %swap3A_395 = arith.constant 16 : index
        %swap3A_396 = tpu.vector_load %arg7[%swap3A_395] {strides = array<i32>} : memref<128xi32, #tpu.memory_space<vmem>>, vector<16xi32>,
        tpu.vector_store %arg7[%swap3A_395], %shift_right_logical3A_394 {strides = array<i32>} : memref<128xi32, #tpu.memory_space<vmem>>, vector<16xi32>,
        %get3A_397 = arith.index_cast %add3A_380 : i32 to index
        %get3A_398 = arith.constant 32 : index
        %get3A_399 = tpu.vector_load %arg5[%get3A_397, %get3A_398] {strides = array<i32>} : memref<200x128xi32, #tpu.memory_space<vmem>>, vector<16xi32>,
        %shift_right_logical3A_400 = arith.constant 2 : i32
        %shift_right_logical3A_401 = vector.broadcast %shift_right_logical3A_400 : i32 to vector<16xi32>
        %shift_right_logical3A_402 = arith.shrui %get3A_399, %shift_right_logical3A_401 : vector<16xi32>
        %swap3A_403 = arith.constant 32 : index
        %swap3A_404 = tpu.vector_load %arg7[%swap3A_403] {strides = array<i32>} : memref<128xi32, #tpu.memory_space<vmem>>, vector<16xi32>,
        tpu.vector_store %arg7[%swap3A_403], %shift_right_logical3A_402 {strides = array<i32>} : memref<128xi32, #tpu.memory_space<vmem>>, vector<16xi32>,
        %get3A_405 = arith.index_cast %add3A_380 : i32 to index
        %get3A_406 = arith.constant 48 : index
        %get3A_407 = tpu.vector_load %arg5[%get3A_405, %get3A_406] {strides = array<i32>} : memref<200x128xi32, #tpu.memory_space<vmem>>, vector<16xi32>,
        %shift_right_logical3A_408 = arith.constant 2 : i32
        %shift_right_logical3A_409 = vector.broadcast %shift_right_logical3A_408 : i32 to vector<16xi32>
        %shift_right_logical3A_410 = arith.shrui %get3A_407, %shift_right_logical3A_409 : vector<16xi32>
        %swap3A_411 = arith.constant 48 : index
        %swap3A_412 = tpu.vector_load %arg7[%swap3A_411] {strides = array<i32>} : memref<128xi32, #tpu.memory_space<vmem>>, vector<16xi32>,
        tpu.vector_store %arg7[%swap3A_411], %shift_right_logical3A_410 {strides = array<i32>} : memref<128xi32, #tpu.memory_space<vmem>>, vector<16xi32>,
        %get3A_413 = arith.index_cast %add3A_380 : i32 to index
        %get3A_414 = arith.constant 64 : index
        %get3A_415 = tpu.vector_load %arg5[%get3A_413, %get3A_414] {strides = array<i32>} : memref<200x128xi32, #tpu.memory_space<vmem>>, vector<16xi32>,
        %shift_right_logical3A_416 = arith.constant 2 : i32
        %shift_right_logical3A_417 = vector.broadcast %shift_right_logical3A_416 : i32 to vector<16xi32>
        %shift_right_logical3A_418 = arith.shrui %get3A_415, %shift_right_logical3A_417 : vector<16xi32>
        %swap3A_419 = arith.constant 64 : index
        %swap3A_420 = tpu.vector_load %arg7[%swap3A_419] {strides = array<i32>} : memref<128xi32, #tpu.memory_space<vmem>>, vector<16xi32>,
        tpu.vector_store %arg7[%swap3A_419], %shift_right_logical3A_418 {strides = array<i32>} : memref<128xi32, #tpu.memory_space<vmem>>, vector<16xi32>,
        %get3A_421 = arith.index_cast %add3A_380 : i32 to index
        %get3A_422 = arith.constant 80 : index
        %get3A_423 = tpu.vector_load %arg5[%get3A_421, %get3A_422] {strides = array<i32>} : memref<200x128xi32, #tpu.memory_space<vmem>>, vector<16xi32>,
        %shift_right_logical3A_424 = arith.constant 2 : i32
        %shift_right_logical3A_425 = vector.broadcast %shift_right_logical3A_424 : i32 to vector<16xi32>
        %shift_right_logical3A_426 = arith.shrui %get3A_423, %shift_right_logical3A_425 : vector<16xi32>
        %swap3A_427 = arith.constant 80 : index
        %swap3A_428 = tpu.vector_load %arg7[%swap3A_427] {strides = array<i32>} : memref<128xi32, #tpu.memory_space<vmem>>, vector<16xi32>,
        tpu.vector_store %arg7[%swap3A_427], %shift_right_logical3A_426 {strides = array<i32>} : memref<128xi32, #tpu.memory_space<vmem>>, vector<16xi32>,
        %get3A_429 = arith.index_cast %add3A_380 : i32 to index
        %get3A_430 = arith.constant 96 : index
        %get3A_431 = tpu.vector_load %arg5[%get3A_429, %get3A_430] {strides = array<i32>} : memref<200x128xi32, #tpu.memory_space<vmem>>, vector<16xi32>,
        %shift_right_logical3A_432 = arith.constant 2 : i32
        %shift_right_logical3A_433 = vector.broadcast %shift_right_logical3A_432 : i32 to vector<16xi32>
        %shift_right_logical3A_434 = arith.shrui %get3A_431, %shift_right_logical3A_433 : vector<16xi32>
        %swap3A_435 = arith.constant 96 : index
        %swap3A_436 = tpu.vector_load %arg7[%swap3A_435] {strides = array<i32>} : memref<128xi32, #tpu.memory_space<vmem>>, vector<16xi32>,
        tpu.vector_store %arg7[%swap3A_435], %shift_right_logical3A_434 {strides = array<i32>} : memref<128xi32, #tpu.memory_space<vmem>>, vector<16xi32>,
        %get3A_437 = arith.index_cast %add3A_380 : i32 to index
        %get3A_438 = arith.constant 112 : index
        %get3A_439 = tpu.vector_load %arg5[%get3A_437, %get3A_438] {strides = array<i32>} : memref<200x128xi32, #tpu.memory_space<vmem>>, vector<16xi32>,
        %shift_right_logical3A_440 = arith.constant 2 : i32
        %shift_right_logical3A_441 = vector.broadcast %shift_right_logical3A_440 : i32 to vector<16xi32>
        %shift_right_logical3A_442 = arith.shrui %get3A_439, %shift_right_logical3A_441 : vector<16xi32>
        %swap3A_443 = arith.constant 112 : index
        %swap3A_444 = tpu.vector_load %arg7[%swap3A_443] {strides = array<i32>} : memref<128xi32, #tpu.memory_space<vmem>>, vector<16xi32>,
        tpu.vector_store %arg7[%swap3A_443], %shift_right_logical3A_442 {strides = array<i32>} : memref<128xi32, #tpu.memory_space<vmem>>, vector<16xi32>,
        %dma_start3A_445 = arith.constant 0 : i32
        %dma_start3A_446 = arith.constant 0 : i32
        %dma_start3A_447 = tpu.memref_slice %arg3[%dma_start3A_445, %dma_start3A_446] : memref<250000x128xf32, #tpu.memory_space<hbm>> -> memref<250000x128xf32, #tpu.memory_space<hbm>>
        tpu.enqueue_indirect_dma source(%dma_start3A_447 : memref<250000x128xf32, #tpu.memory_space<hbm>>) target(%arg9 : memref<128x128xf32, #tpu.memory_space<vmem>>) offsets(%arg7 : memref<128xi32, #tpu.memory_space<vmem>>) semaphore(%arg13 : memref<!tpu.dma_semaphore, #tpu.memory_space<semaphore_mem>>)
      } else {
      }
      %scan3A_378 = arith.constant 0 : i32
      scf.yield %scan3A_378 : i32
    }
    %scan3A_178 = arith.constant 100 : i32
    %dma_wait3A = arith.constant 198 : i32
    %dma_wait3A_179 = arith.constant 0 : i32
    %dma_wait3A_180 = tpu.memref_slice %arg4[%dma_wait3A, %dma_wait3A_179, %mul3A_2] : memref<200x32x4096xf32, #tpu.memory_space<hbm>> -> memref<1x32x128xf32, #tpu.memory_space<hbm>>
    %dma_wait3A_181 = tpu.memref_squeeze %dma_wait3A_180 : memref<1x32x128xf32, #tpu.memory_space<hbm>> -> memref<32x128xf32, #tpu.memory_space<hbm>>
    %dma_wait3A_182 = arith.constant 0 : i32
    %dma_wait3A_183 = tpu.memref_slice %arg4[%dma_wait3A, %dma_wait3A_182, %mul3A_2] : memref<200x32x4096xf32, #tpu.memory_space<hbm>> -> memref<1x32x128xf32, #tpu.memory_space<hbm>>
    %dma_wait3A_184 = tpu.memref_squeeze %dma_wait3A_183 : memref<1x32x128xf32, #tpu.memory_space<hbm>> -> memref<32x128xf32, #tpu.memory_space<hbm>>
    tpu.wait_dma2 semaphore(%arg14 : memref<!tpu.dma_semaphore, #tpu.memory_space<semaphore_mem>>) src(%arg10 : memref<32x128xf32, #tpu.memory_space<vmem>>) dst(%dma_wait3A_184 : memref<32x128xf32, #tpu.memory_space<hbm>>)
    %dma_wait3A_185 = arith.constant 199 : i32
    %dma_wait3A_186 = arith.constant 0 : i32
    %dma_wait3A_187 = tpu.memref_slice %arg4[%dma_wait3A_185, %dma_wait3A_186, %mul3A_2] : memref<200x32x4096xf32, #tpu.memory_space<hbm>> -> memref<1x32x128xf32, #tpu.memory_space<hbm>>
    %dma_wait3A_188 = tpu.memref_squeeze %dma_wait3A_187 : memref<1x32x128xf32, #tpu.memory_space<hbm>> -> memref<32x128xf32, #tpu.memory_space<hbm>>
    %dma_wait3A_189 = arith.constant 0 : i32
    %dma_wait3A_190 = tpu.memref_slice %arg4[%dma_wait3A_185, %dma_wait3A_189, %mul3A_2] : memref<200x32x4096xf32, #tpu.memory_space<hbm>> -> memref<1x32x128xf32, #tpu.memory_space<hbm>>
    %dma_wait3A_191 = tpu.memref_squeeze %dma_wait3A_190 : memref<1x32x128xf32, #tpu.memory_space<hbm>> -> memref<32x128xf32, #tpu.memory_space<hbm>>
    tpu.wait_dma2 semaphore(%arg15 : memref<!tpu.dma_semaphore, #tpu.memory_space<semaphore_mem>>) src(%arg11 : memref<32x128xf32, #tpu.memory_space<vmem>>) dst(%dma_wait3A_191 : memref<32x128xf32, #tpu.memory_space<hbm>>)
    return
  }
}

</mosaic_0001>

<sc_bundles>
// kernel: kernel.4.cloned.1.call-start
scs
__scs_entry_jumppad:
0x0: {  	(pc) =	sbr.rel $0x88, $3  }
0x1: {  	(tag) =	ssettag $0x0;
	lr =	simm.s32 $0x1  }
0x2: {  	[smem:$0x3F9F] =	sst lr;
	_ =	strace $0xD0000000  }
0x3: {  	_ = 	snop  }
0x4: {  	_ = 	snop  }
0x5: {  	_ = 	snop  }
0x6: {  	_ = 	snop  }
0x7: {  	_ = 	snop  }
__scs_overlays_trampoline_lowered:
0x8: {  	[smem:$0x3FAE] =	sst s0  }
0x9: {  	[smem:$0x3FAF] =	sst s1  }
0xa: {  	[smem:$0x3FB0] =	sst s2  }
0xb: {  	[smem:$0x3FB1] =	sst s3  }
0xc: {  	[smem:$0x3FB2] =	sst s4  }
0xd: {  	[smem:$0x3FB3] =	sst s5  }
0xe: {  	[smem:$0x3FB4] =	sst s6  }
0xf: {  	[smem:$0x3FB5] =	sst s7  }
0x10: {  	[smem:$0x3FB6] =	sst s8  }
0x11: {  	[smem:$0x3FB7] =	sst s9;
	s0 =	simm.s32 @!p0 $0x0  }
0x12: {  	s1 =	sld [smem:$0x3F9D];
	s0 =	simm.s32 @p0 $0x1  }
0x13: {  	[smem:$0x3FB8] =	sst s0;
	s0 =	simm.s32 @!p1 $0x0  }
0x14: {  	s2 =	sld [smem:$0x3F9C];
	s0 =	simm.s32 @p1 $0x1  }
0x15: {  	[smem:$0x3FB9] =	sst s0;
	s0 =	simm.s32 @!p2 $0x0  }
0x16: {  	s3 =	sld [smem:$0x3FDB];
	s0 =	simm.s32 @p2 $0x1  }
0x17: {  	s4 =	simm.s32 $0x1BF5;
	[smem:$0x3FBB] =	sst s0  }
0x18: {  	s0 =	sld [smem:$0x3F9E];
	_ =	swait.ge [sflag:s4], $0x0  }
0x19: {  	s7 =	sld [smem:$0x3F9F]  }
0x1a: {  	s8 =	sadd.s32 $0xFFFFE003, lr  }
0x1b: {  	s9 =	sadd.s32 $0xFFFFFEF7, lr;
	s5 =	simm.s32 $0xFFFFFFFF;
	p2 =	slt.u32 s8, $0xFFFFF086  }
0x1c: {  	p1 =	slt.u32 s9, $0xF7A;
	s5 =	simm.s32 @!p2 $0x0  }
0x1d: {  	s5 =	simm.s32 @p1 $0x1;
	p0 =	seq.s32 s7, s2  }
0x1e: {  	s7 =	smul.u32 @!p0 $0xF7A, s2;
	p2 =	seq.s32 @!p0 s5, $0x0  }
0x1f: {  	s9 =	smul.u32 $0xF7A, s1;
	s8 =	simm.s32 @!p0 $0x1BF5;
	p2 =	por !p2, p0  }
0x20: {  	[sflag:s8] =	ssyncset.s32 @!p0 $0xFFFFF086;
	s6 =	sadd.s32 @!p0 s3, s7;
	s7 =	simm.s32 @!p0 $0x108  }
0x21: {  	s3 =	sadd.s32 s3, s9;
	s6 =	sadd.s32 @!p0 $0x88, s6;
	s7 =	simm.s32 @p2 $0x1082  }
0x22: {  	[simem:s7], [sflag:s8] =	dma.local @!p0 [hbm:s6], $0xF7A  }
0x23: {  	s9 =	sor.u32 $0xD0000000, s2;
	s6 =	simm.s32 $0x108;
	_ =	swait.ge @!p0 [sflag:s8], $0x0  }
0x24: {  	s3 =	sadd.s32 $0x88, s3;
	s6 =	simm.s32 @!p1 $0x1082;
	[sflag:s4] =	ssyncset.s32 $0xFFFFF086  }
0x25: {  	[simem:s6], [sflag:s4] =	dma.local [hbm:s3], $0xF7A  }
0x26: {  	[smem:$0x3F9F] =	sst s1;
	(tag) =	ssettag s2;
	_ =	strace s9  }
0x27: {  	s1 =	sld [smem:$0x3FAF]  }
0x28: {  	s2 =	sld [smem:$0x3FB0]  }
0x29: {  	s4 =	sld [smem:$0x3FB2]  }
0x2a: {  	p0 =	seq.s32 s5, $0x0;
	s5 =	sld [smem:$0x3FB3]  }
0x2b: {  	s6 =	sld [smem:$0x3FB4]  }
0x2c: {  	s7 =	sld [smem:$0x3FB5]  }
0x2d: {  	s3 =	simm.s32 $0x108;
	s8 =	sld [smem:$0x3FB6]  }
0x2e: {  	s3 =	simm.s32 @!p0 $0x1082;
	s9 =	sld [smem:$0x3FB7]  }
0x2f: {  	lr =	sadd.s32 s0, s3;
	s0 =	sld [smem:$0x3FAE]  }
0x30: {  	s3 =	sld [smem:$0x3FB1]  }
0x31: {  	[smem:$0x3FBA] =	sst s10  }
0x32: {  	s10 =	sld [smem:$0x3FB8];
	_ =	sdelay $0x3  }
0x33: {  	p0 =	seq.s32 s10, $0x1;
	s10 =	sld [smem:$0x3FBA];
	_ =	sdelay $0x3  }
0x34: {  	[smem:$0x3FBA] =	sst s10  }
0x35: {  	s10 =	sld [smem:$0x3FB9];
	_ =	sdelay $0x3  }
0x36: {  	p1 =	seq.s32 s10, $0x1;
	s10 =	sld [smem:$0x3FBA];
	_ =	sdelay $0x3  }
0x37: {  	[smem:$0x3FBA] =	sst s10  }
0x38: {  	s10 =	sld [smem:$0x3FBB]  }
0x39: {  	_ = 	snop;
	(pc) =	sbr.ind lr, $3  }
0x3a: {  	_ = 	snop  }
0x3b: {  	_ = 	snop  }
0x3c: {  	p2 =	seq.s32 s10, $0x1;
	s10 =	sld [smem:$0x3FBA]  }
0x3d: {  	_ =	shalt  }
0x3e: {  	_ =	shalt  }
0x3f: {  	_ =	shalt  }
0x40: {  	_ =	shalt  }
0x41: {  	_ =	shalt  }
0x42: {  	_ =	shalt  }
0x43: {  	_ =	shalt  }
0x44: {  	_ =	shalt  }
0x45: {  	_ =	shalt  }
0x46: {  	_ =	shalt  }
0x47: {  	_ =	shalt  }
0x48: {  	_ =	shalt  }
0x49: {  	_ =	shalt  }
0x4a: {  	_ =	shalt  }
0x4b: {  	_ =	shalt  }
0x4c: {  	_ =	shalt  }
0x4d: {  	_ =	shalt  }
0x4e: {  	_ =	shalt  }
0x4f: {  	_ =	shalt  }
0x50: {  	_ =	shalt  }
0x51: {  	_ =	shalt  }
0x52: {  	_ =	shalt  }
0x53: {  	_ =	shalt  }
0x54: {  	_ =	shalt  }
0x55: {  	_ =	shalt  }
0x56: {  	_ =	shalt  }
0x57: {  	_ =	shalt  }
0x58: {  	_ =	shalt  }
0x59: {  	_ =	shalt  }
0x5a: {  	_ =	shalt  }
0x5b: {  	_ =	shalt  }
0x5c: {  	_ =	shalt  }
0x5d: {  	_ =	shalt  }
0x5e: {  	_ =	shalt  }
0x5f: {  	_ =	shalt  }
0x60: {  	_ =	shalt  }
0x61: {  	_ =	shalt  }
0x62: {  	_ =	shalt  }
0x63: {  	_ =	shalt  }
0x64: {  	_ =	shalt  }
0x65: {  	_ =	shalt  }
0x66: {  	_ =	shalt  }
0x67: {  	_ =	shalt  }
0x68: {  	_ =	shalt  }
0x69: {  	_ =	shalt  }
0x6a: {  	_ =	shalt  }
0x6b: {  	_ =	shalt  }
0x6c: {  	_ =	shalt  }
0x6d: {  	_ =	shalt  }
0x6e: {  	_ =	shalt  }
0x6f: {  	_ =	shalt  }
0x70: {  	_ =	shalt  }
0x71: {  	_ =	shalt  }
0x72: {  	_ =	shalt  }
0x73: {  	_ =	shalt  }
0x74: {  	_ =	shalt  }
0x75: {  	_ =	shalt  }
0x76: {  	_ =	shalt  }
0x77: {  	_ =	shalt  }
0x78: {  	_ =	shalt  }
0x79: {  	_ =	shalt  }
0x7a: {  	_ =	shalt  }
0x7b: {  	_ =	shalt  }
0x7c: {  	_ =	shalt  }
0x7d: {  	_ =	shalt  }
0x7e: {  	_ =	shalt  }
0x7f: {  	_ =	shalt  }
0x80: {  	_ =	shalt  }
0x81: {  	_ =	shalt  }
0x82: {  	_ =	shalt  }
0x83: {  	_ =	shalt  }
0x84: {  	_ =	shalt  }
0x85: {  	_ =	shalt  }
0x86: {  	_ =	shalt  }
0x87: {  	_ =	shalt  }
.Lfunc_end0:
.L_simem_size_0:
called_computation_lowered:
.L_overlay_start_0:
0x88: {  	s2 =	sld [smem:$0x3FD9]  }
0x89: {  	s3 =	sld [smem:$0x3FFE];
	_ =	sdelay $0x1  }
0x8a: {  	s1 =	srdreg.scid  }
0x8b: {  	s0 =	sand.u32 $0x1, s1  }
0x8c: {  	s17 =	sshll.u32 s0, $0xA;
	s2 =	sadd.s32 s3, s2  }
0x8d: {  	s2 =	sadd.s32 s2, s17  }
0x8e: {  	[smem:$0x3FC6] =	sst s2  }
0x8f: {  	_ = 	snop  }
0x90: {  	s2 =	sld [smem:$0x3FC8]  }
0x91: {  	s18 =	sld [smem:$0x3FD0];
	(tm) =	ssettm $0x1  }
0x92: {  	s4 =	sld [smem:$0x3FFB];
	_ =	sdelay $0x3  }
0x93: {  	_ =	strace s4  }
0x94: {  	s4 =	sld [smem:$0x3FFC];
	_ =	sdelay $0x3  }
0x95: {  	_ =	strace s4  }
0x96: {  	s4 =	sld [smem:$0x3FFD];
	_ =	sdelay $0x3  }
0x97: {  	_ =	strace s4  }
0x98: {  	_ =	strace $0x8FFFFFFF  }
0x99: {  	s19 =	sld [smem:$0x3FDB];
	_ =	sdelay $0x1  }
0x9a: {  	s5 =	simm.s32 $_scs_section_size  }
0x9b: {  	s6 =	simm.s32 $_size__tile_overlayer_lowered;
	s7 =	simm.s32 $_tile_overlayer_lowered  }
0x9c: {  	s22 =	simm.s32 $0x1BFF;
	s21 =	sshll.u32 s7, $0x1;
	s4 =	sadd.s32 s5, s19  }
0x9d: {  	s8 =	simm.s32 $0x0;
	s20 =	sshll.u32 s6, $0x1;
	s6 =	sadd.s32 s21, s4  }
0x9e: {  	[timem:s8], [sflag:s22] =	dma.local [hbm:s6], s20  }
0x9f: {  	_ =	swait.ge [sflag:s22], s20  }
0xa0: {  	s5 =	ssub.s32 $0x0, s20;
	[sflag:s22] =	ssyncset.done $0x0  }
0xa1: {  	[sflag:s22] =	ssyncadd.s32 s5;
	_ =	sdelay $0x1  }
0xa2: {  	s23 =	simm.s32 $0x1B8B  }
0xa3: {  	_ =	swait.ge [sflag:s23], $0x1  }
0xa4: {  	[sflag:s23] =	ssyncset.done $0x0  }
0xa5: {  	s25 =	simm.s32 $0x1B8E;
	s24 =	sld [smem:$0x3FFE];
	[sflag:s23] =	ssyncadd.s32 $0xFFFFFFFF  }
0xa6: {  	s26 =	simm.s32 $execute0_lowered;
	[smem:$0x3FD2] =	sst s25  }
0xa7: {  	s6 =	sshll.u32 s26, $0x1;
	_ =	strace $0x80000046;
	[dreg:$0x1] =	wrdreg $0xFFFFFFFF  }
0xa8: {  	s28 =	simm.s32 $_size_execute0_lowered;
	s4 =	sadd.s32 s4, s6;
	[dreg:$0x0] =	wrdreg $0x0  }
0xa9: {  	s6 =	sshll.u32 s28, $0x1;
	[dreg:$0x2] =	wrdreg s4  }
0xaa: {  	[dreg:$0x3] =	wrdreg s6  }
0xab: {  	[dreg:$0x4] =	wrdreg $0xC0  }
0xac: {  	_ =	task [dreg:s8], $0x5FFFF  }
0xad: {  	[dreg:$0x1] =	wrdreg $0xFFFFFFFF  }
0xae: {  	[dreg:$0x0] =	wrdreg $0x60  }
0xaf: {  	[dreg:$0x2] =	wrdreg s2  }
0xb0: {  	[dreg:$0x3] =	wrdreg s18  }
0xb1: {  	[dreg:$0x4] =	wrdreg s24  }
0xb2: {  	[dreg:$0x5] =	wrdreg $0x9  }
0xb3: {  	_ =	task.clear_ibuf [dreg:s8], $0x6FFFF;
	_ =	strace $0x90000046  }
0xb4: {  	s29 =	simm.s32 $0x9;
	_ =	strace $0x80000048  }
0xb5: {  	_ =	swait.ge [sflag:s29], $0x1  }
0xb6: {  	[sflag:s29] =	ssyncadd.s32 $0xFFFFFFFF  }
0xb7: {  	_ =	strace $0x90000048  }
0xb8: {  	_ =	sfence  }
0xb9: {  	s30 =	sld [smem:$0x0];
	_ =	sdelay $0x2  }
0xba: {  	s31 =	sshll.u32 s1, $0xD;
	s1 =	sshrl.u32 s1, $0x2  }
0xbb: {  	s3 =	sand.u32 $0x4000, s31;
	s1 =	sadd.s32 s1, s30  }
0xbc: {  	s0 =	sor.u32 s3, s0;
	s1 =	sshll.u32 s1, $0x11  }
0xbd: {  	s0 =	sor.u32 s1, s0  }
0xbe: {  	s0 =	sadd.s32 $0x8F2B, s0  }
0xbf: {  	[sflag:s0] =	ssyncadd.remote.s32 $0x1  }
0xc0: {  	_ =	sfence.sel $0xFFFF  }
0xc1: {  	[dreg:$0x0] =	wrdreg $0xFFFFFFFF;
	(pc) =	sbr.abs _section_cstart, $3  }
0xc2: {  	[dreg:$0x1] =	wrdreg $0xFFFFFFFF  }
0xc3: {  	_ =	task.clear_ibuf [dreg:s8], $0x2FFFF;
	_ =	strace $0x9FFFFFFF  }
0xc4: {  	(tm) =	ssettm $0x7FFFFFFF  }
0xc5: {  	_ =	shalt  }
tec
execute0_lowered:
.L_overlay_start_1:
0x0: {  	(tag) =	ssettag $0x1  }
0x1: {  	s2 =	rddreg [dreg:$0x0]  }
0x2: {  	s1 =	srdreg.scid;
	s3 =	rddreg [dreg:$0x1]  }
0x3: {  	s0 =	stileid.u32;
	s8 =	rddreg [dreg:$0x2]  }
0x4: {  	s4 =	simm.s32 $0x0;
	s18 =	simm.s32 $0x1;
	s19 =	simm.s32 $0x2000  }
0x5: {  	s20 =	simm.s32 $0x2;
	s21 =	simm.s32 $0x3000;
	s22 =	simm.s32 $0x3  }
0x6: {  	s23 =	simm.s32 $0x4;
	s12 =	sand.u32 $0x1, s1;
	s1 =	rddreg [dreg:$0x3]  }
0x7: {  	s29 =	sshll.u32 s0, $0x1;
	[smem:$0x7FF] =	sst s4;
	s31 =	smul.u32 $0x1E8, s0  }
0x8: {  	s24 =	sor.u32 s12, s29;
	s6 =	ssub.s32 $0x2, s12;
	s17 =	smul.u32 $0xF4, s12  }
0x9: {  	_ =	strace $0x80000047;
	s5 =	smul.u32 $0xF4, s24;
	s14 =	smin.u32 s24, $0x5  }
0xa: {  	s10 =	sshrl.u32 s6, $0x1;
	p0 =	sne.s32 s24, $0x1F;
	s24 =	simm.s32 $0x0  }
0xb: {  	s10 =	ssub.s32 s6, s10;
	s9 =	sadd.s32 s14, s5;
	s5 =	sadd.s32 $0x800, s8  }
0xc: {  	s8 =	sadd.s32 $0x3D1000, s8;
	s14 =	sor.u32 s31, s14;
	s7 =	sshll.u32 s9, $0x7  }
0xd: {  	s30 =	sadd.s32 $0x2, s9;
	s13 =	sadd.s32 $0x1, s9;
	s15 =	sadd.s32 $0x3, s9  }
0xe: {  	s16 =	sshll.u32 s9, $0x9;
	s9 =	smax.u32 s10, $0x1;
	s14 =	sadd.s32 s17, s14  }
0xf: {  	s17 =	simm.s32 $0x1000;
	s11 =	sadd.s32 $0x80, s7;
	s6 =	sadd.s32 s2, s7  }
.Ltmp0:
0x10: {  	s13 =	smin.u32 s13, $0x1E83;
	s15 =	smin.u32 s15, $0x1E83;
	(pc) =	sbr.rel .LBB2_1-.Ltmp0, $4  }
0x11: {  	s10 =	sadd.s32 s5, s16;
	s16 =	simm.s32 $0x7A1400;
	s11 =	sand.u32 $0x1FFFFF80, s11  }
0x12: {  	s13 =	sshll.u32 s13, $0x9;
	s7 =	sadd.s32 s2, s11;
	s11 =	smin.u32 s30, $0x1E83  }
0x13: {  	s15 =	sshll.u32 s15, $0x7;
	s12 =	sadd.s32 s5, s13;
	s11 =	sshll.u32 s11, $0x7  }
0x14: {  	s13 =	sadd.s32 s2, s15;
	s15 =	simm.s32 $0x400;
	s11 =	sadd.s32 s2, s11  }
.LBB2_4:
0x15: {  	_ =	swait.ge [sflag:s22], $0x1000  }
0x16: {  	[sflag:s22] =	ssyncset.done $0x0  }
0x17: {  	[sflag:s22] =	ssyncadd.s32 $0xFFFFF000  }
0x18: {  	_ =	swait.ge [sflag:s23], $0x1000  }
0x19: {  	s25 =	simm.s32 @!p0 $0x0;
	[sflag:s23] =	ssyncset.done $0x0  }
0x1a: {  	s26 =	simm.s32 @!p0 $0x2000;
	s28 =	simm.s32 @!p0 $0x5;
	[sflag:s23] =	ssyncadd.s32 $0xFFFFF000  }
0x1b: {  	[tilespmem:s26], [sflag:$0x5] =	stream.linear.gather @!p0 [hbm4b:s3+s25], $0x800, $0x38;
	[tilespmem:$0x4000] =	vst v63  }
0x1c: {  	s24 =	sadd.s32 $0x1, s24;
	_ =	swait.ge @!p0 [sflag:s28], $0x800  }
0x1d: {  	p1 =	sne.s32 s24, s9;
	[sflag:s28] =	ssyncset.done @!p0 $0x0  }
.Ltmp1:
0x1e: {  	[sflag:s28] =	ssyncadd.s32 @!p0 $0xFFFFF800;
	(pc) =	sbr.rel @!p1 .LBB2_5-.Ltmp1, $4  }
0x1f: {  	[hbm4b:s8+s25] =	stream.linear.scatter @!p0 [tilespmem:s26], [sflag:$0x5], $0x800, $0x38;
	[tilespmem:$0x4000] =	vst v63  }
0x20: {  	_ =	swait.ge @!p0 [sflag:s28], $0x800  }
0x21: {  	[sflag:s28] =	ssyncset.done @!p0 $0x0  }
0x22: {  	[sflag:s28] =	ssyncadd.s32 @!p0 $0xFFFFF800  }
.LBB2_1:
0x23: {  	[tilespmem:s4], [sflag:$0x1] =	stream.strided.gather [hbm4b:s6+s15], $0x1000, s16, s15, $0x38;
	[tilespmem:$0x4000] =	vst v63  }
0x24: {  	_ = 	snop  }
0x25: {  	[tilespmem:s17], [sflag:$0x2] =	stream.strided.gather [hbm4b:s7+s15], $0x1000, s16, s15, $0x38;
	[tilespmem:$0x4000] =	vst v63  }
0x26: {  	_ =	swait.ge [sflag:s18], $0x1000  }
0x27: {  	[sflag:s18] =	ssyncset.done $0x0  }
0x28: {  	[sflag:s18] =	ssyncadd.s32 $0xFFFFF000  }
0x29: {  	[hbm4b:s10+s4] =	stream.linear.scatter [tilespmem:s19], [sflag:$0x3], $0x1000, $0x38;
	[tilespmem:$0x4000] =	vst v63  }
0x2a: {  	_ = 	snop  }
0x2b: {  	[tilespmem:s4], [sflag:$0x1] =	stream.strided.gather [hbm4b:s11+s15], $0x1000, s16, s15, $0x38;
	[tilespmem:$0x4000] =	vst v63  }
0x2c: {  	_ =	swait.ge [sflag:s20], $0x1000  }
0x2d: {  	[sflag:s20] =	ssyncset.done $0x0  }
0x2e: {  	[sflag:s20] =	ssyncadd.s32 $0xFFFFF000  }
0x2f: {  	[hbm4b:s12+s4] =	stream.linear.scatter [tilespmem:s21], [sflag:$0x4], $0x1000, $0x38;
	[tilespmem:$0x4000] =	vst v63  }
0x30: {  	s25 =	simm.s32 $0x0  }
0x31: {  	[tilespmem:s17], [sflag:$0x2] =	stream.strided.gather [hbm4b:s13+s15], $0x1000, s16, s15, $0x38;
	[tilespmem:$0x4000] =	vst v63  }
.LBB2_2:
0x32: {  	s26 =	sadd.s32 s25, s14;
	_ =	swait.ge [sflag:s18], $0x1000  }
0x33: {  	s28 =	sadd.s32 $0x2, s26;
	[sflag:s18] =	ssyncset.done $0x0  }
0x34: {  	p1 =	slt.s32 s28, $0x1E83;
	[sflag:s18] =	ssyncadd.s32 $0xFFFFF000  }
0x35: {  	s28 =	simm.s32 @!p1 $0x1E83;
	_ =	swait.ge [sflag:s22], $0x1000  }
0x36: {  	[sflag:s22] =	ssyncset.done $0x0;
	s28 =	sshll.u32 s28, $0x9  }
0x37: {  	p1 =	seq.s32 s25, $0xF2;
	[sflag:s22] =	ssyncadd.s32 $0xFFFFF000;
	s28 =	sadd.s32 s5, s28  }
0x38: {  	[hbm4b:s28+s4] =	stream.linear.scatter [tilespmem:s19], [sflag:$0x3], $0x1000, $0x38;
	[tilespmem:$0x4000] =	vst v63  }
0x39: {  	s28 =	sadd.s32 @!p1 s25, s14  }
0x3a: {  	s28 =	sadd.s32 @!p1 $0x4, s28  }
0x3b: {  	p2 =	slt.s32 @!p1 s28, $0x1E83  }
0x3c: {  	p2 =	por !p2, p1  }
0x3d: {  	s28 =	simm.s32 @p2 $0x1E83  }
0x3e: {  	s28 =	sshll.u32 @!p1 s28, $0x7  }
0x3f: {  	s29 =	simm.s32 @!p1 $0x400;
	s28 =	sand.u32 @!p1 $0x1FFFFF80, s28  }
0x40: {  	s30 =	simm.s32 @!p1 $0x7A1400;
	s31 =	simm.s32 @!p1 $0x0;
	s28 =	sadd.s32 @!p1 s2, s28  }
0x41: {  	[tilespmem:s31], [sflag:$0x1] =	stream.strided.gather @!p1 [hbm4b:s28+s29], $0x1000, s30, s29, $0x38;
	[tilespmem:$0x4000] =	vst v63  }
0x42: {  	s28 =	sadd.s32 $0x3, s26;
	_ =	swait.ge [sflag:s20], $0x1000  }
0x43: {  	p2 =	slt.s32 s28, $0x1E83;
	[sflag:s20] =	ssyncset.done $0x0  }
.Ltmp2:
0x44: {  	s28 =	simm.s32 @!p2 $0x1E83;
	[sflag:s20] =	ssyncadd.s32 $0xFFFFF000;
	(pc) =	sbr.rel @p1 .LBB2_4-.Ltmp2, $4  }
0x45: {  	s28 =	sshll.u32 s28, $0x9;
	_ =	swait.ge [sflag:s23], $0x1000  }
0x46: {  	s28 =	sand.u32 $0x1FFFFE00, s28;
	[sflag:s23] =	ssyncset.done $0x0  }
0x47: {  	s28 =	sadd.s32 s5, s28;
	[sflag:s23] =	ssyncadd.s32 $0xFFFFF000  }
0x48: {  	[hbm4b:s28+s4] =	stream.linear.scatter [tilespmem:s21], [sflag:$0x4], $0x1000, $0x38;
	[tilespmem:$0x4000] =	vst v63  }
0x49: {  	s26 =	sadd.s32 $0x5, s26  }
0x4a: {  	p1 =	slt.s32 s26, $0x1E83  }
.Ltmp3:
0x4b: {  	s26 =	simm.s32 @!p1 $0x1E83;
	(pc) =	sbr.rel .LBB2_2-.Ltmp3, $4  }
0x4c: {  	s26 =	sshll.u32 s26, $0x7  }
0x4d: {  	s26 =	sand.u32 $0x1FFFFF80, s26  }
0x4e: {  	s25 =	sadd.s32 $0x2, s25;
	s26 =	sadd.s32 s2, s26  }
0x4f: {  	[tilespmem:s17], [sflag:$0x2] =	stream.strided.gather [hbm4b:s26+s15], $0x1000, s16, s15, $0x38;
	[tilespmem:$0x4000] =	vst v63  }
.LBB2_5:
0x50: {  	_ =	sfence.sel $0x180000  }
0x51: {  	[bflag:$0x0] =	sbarrier.arrive $0xFFFF  }
0x52: {  	p0 =	sne.s32 s0, $0x0;
	_ =	strace $0x90000047  }
0x53: {  	s0 =	sadd.s32 @!p0 $0x100000, s1;
	[bflag:$0x2] =	sbarrier.arrive $0xFFFF  }
0x54: {  	[sflag:s0] =	ssyncadd.tile.s32 @!p0 $0x1;
	_ =	shalt  }
.Lfunc_end2:
_tile_overlayer_lowered:
.L_overlay_start_2:
0x55: {  	(tag) =	ssettag $0x2  }
0x56: {  	s0 =	rddreg [dreg:$0x0];
	s2 =	stileid.u32  }
0x57: {  	s1 =	rddreg [dreg:$0x1];
	p0 =	sne.s32 s2, $0x0  }
0x58: {  	s3 =	rddreg [dreg:$0x2];
	[bflag:$0x3] =	sbarrier.arrive $0xFFFF;
	s2 =	simm.s32 @!p0 $0x1C05  }
0x59: {  	[timem:s3], [sflag:s2] =	dma.local @!p0 [hbm:s0], s1  }
0x5a: {  	s0 =	simm.s32 @!p0 $0x5  }
0x5b: {  	_ =	swait.ge @!p0 [sflag:s0], s1  }
0x5c: {  	s1 =	ssub.s32 @!p0 $0x0, s1;
	[sflag:s0] =	ssyncset.done @!p0 $0x0  }
0x5d: {  	[sflag:s0] =	ssyncadd.s32 @!p0 s1  }
0x5e: {  	[bflag:$0x3] =	sbarrier.arrive $0xFFFF  }
0x5f: {  	_ =	shalt  }

// kernel: kernel.7.cloned.1.call-start
scs
__scs_entry_jumppad:
0x0: {  	(pc) =	sbr.rel $0x88, $3  }
0x1: {  	(tag) =	ssettag $0x0;
	lr =	simm.s32 $0x1  }
0x2: {  	[smem:$0x3F9F] =	sst lr;
	_ =	strace $0xD0000000  }
0x3: {  	_ = 	snop  }
0x4: {  	_ = 	snop  }
0x5: {  	_ = 	snop  }
0x6: {  	_ = 	snop  }
0x7: {  	_ = 	snop  }
__scs_overlays_trampoline_lowered:
0x8: {  	[smem:$0x3FAE] =	sst s0  }
0x9: {  	[smem:$0x3FAF] =	sst s1  }
0xa: {  	[smem:$0x3FB0] =	sst s2  }
0xb: {  	[smem:$0x3FB1] =	sst s3  }
0xc: {  	[smem:$0x3FB2] =	sst s4  }
0xd: {  	[smem:$0x3FB3] =	sst s5  }
0xe: {  	[smem:$0x3FB4] =	sst s6  }
0xf: {  	[smem:$0x3FB5] =	sst s7  }
0x10: {  	[smem:$0x3FB6] =	sst s8  }
0x11: {  	[smem:$0x3FB7] =	sst s9;
	s0 =	simm.s32 @!p0 $0x0  }
0x12: {  	s1 =	sld [smem:$0x3F9D];
	s0 =	simm.s32 @p0 $0x1  }
0x13: {  	[smem:$0x3FB8] =	sst s0;
	s0 =	simm.s32 @!p1 $0x0  }
0x14: {  	s2 =	sld [smem:$0x3F9C];
	s0 =	simm.s32 @p1 $0x1  }
0x15: {  	[smem:$0x3FB9] =	sst s0;
	s0 =	simm.s32 @!p2 $0x0  }
0x16: {  	s3 =	sld [smem:$0x3FDB];
	s0 =	simm.s32 @p2 $0x1  }
0x17: {  	s4 =	simm.s32 $0x1BF5;
	[smem:$0x3FBB] =	sst s0  }
0x18: {  	s0 =	sld [smem:$0x3F9E];
	_ =	swait.ge [sflag:s4], $0x0  }
0x19: {  	s7 =	sld [smem:$0x3F9F]  }
0x1a: {  	s8 =	sadd.s32 $0xFFFFE003, lr  }
0x1b: {  	s9 =	sadd.s32 $0xFFFFFEF7, lr;
	s5 =	simm.s32 $0xFFFFFFFF;
	p2 =	slt.u32 s8, $0xFFFFF086  }
0x1c: {  	p1 =	slt.u32 s9, $0xF7A;
	s5 =	simm.s32 @!p2 $0x0  }
0x1d: {  	s5 =	simm.s32 @p1 $0x1;
	p0 =	seq.s32 s7, s2  }
0x1e: {  	s7 =	smul.u32 @!p0 $0xF7A, s2;
	p2 =	seq.s32 @!p0 s5, $0x0  }
0x1f: {  	s9 =	smul.u32 $0xF7A, s1;
	s8 =	simm.s32 @!p0 $0x1BF5;
	p2 =	por !p2, p0  }
0x20: {  	[sflag:s8] =	ssyncset.s32 @!p0 $0xFFFFF086;
	s6 =	sadd.s32 @!p0 s3, s7;
	s7 =	simm.s32 @!p0 $0x108  }
0x21: {  	s3 =	sadd.s32 s3, s9;
	s6 =	sadd.s32 @!p0 $0x88, s6;
	s7 =	simm.s32 @p2 $0x1082  }
0x22: {  	[simem:s7], [sflag:s8] =	dma.local @!p0 [hbm:s6], $0xF7A  }
0x23: {  	s9 =	sor.u32 $0xD0000000, s2;
	s6 =	simm.s32 $0x108;
	_ =	swait.ge @!p0 [sflag:s8], $0x0  }
0x24: {  	s3 =	sadd.s32 $0x88, s3;
	s6 =	simm.s32 @!p1 $0x1082;
	[sflag:s4] =	ssyncset.s32 $0xFFFFF086  }
0x25: {  	[simem:s6], [sflag:s4] =	dma.local [hbm:s3], $0xF7A  }
0x26: {  	[smem:$0x3F9F] =	sst s1;
	(tag) =	ssettag s2;
	_ =	strace s9  }
0x27: {  	s1 =	sld [smem:$0x3FAF]  }
0x28: {  	s2 =	sld [smem:$0x3FB0]  }
0x29: {  	s4 =	sld [smem:$0x3FB2]  }
0x2a: {  	p0 =	seq.s32 s5, $0x0;
	s5 =	sld [smem:$0x3FB3]  }
0x2b: {  	s6 =	sld [smem:$0x3FB4]  }
0x2c: {  	s7 =	sld [smem:$0x3FB5]  }
0x2d: {  	s3 =	simm.s32 $0x108;
	s8 =	sld [smem:$0x3FB6]  }
0x2e: {  	s3 =	simm.s32 @!p0 $0x1082;
	s9 =	sld [smem:$0x3FB7]  }
0x2f: {  	lr =	sadd.s32 s0, s3;
	s0 =	sld [smem:$0x3FAE]  }
0x30: {  	s3 =	sld [smem:$0x3FB1]  }
0x31: {  	[smem:$0x3FBA] =	sst s10  }
0x32: {  	s10 =	sld [smem:$0x3FB8];
	_ =	sdelay $0x3  }
0x33: {  	p0 =	seq.s32 s10, $0x1;
	s10 =	sld [smem:$0x3FBA];
	_ =	sdelay $0x3  }
0x34: {  	[smem:$0x3FBA] =	sst s10  }
0x35: {  	s10 =	sld [smem:$0x3FB9];
	_ =	sdelay $0x3  }
0x36: {  	p1 =	seq.s32 s10, $0x1;
	s10 =	sld [smem:$0x3FBA];
	_ =	sdelay $0x3  }
0x37: {  	[smem:$0x3FBA] =	sst s10  }
0x38: {  	s10 =	sld [smem:$0x3FBB]  }
0x39: {  	_ = 	snop;
	(pc) =	sbr.ind lr, $3  }
0x3a: {  	_ = 	snop  }
0x3b: {  	_ = 	snop  }
0x3c: {  	p2 =	seq.s32 s10, $0x1;
	s10 =	sld [smem:$0x3FBA]  }
0x3d: {  	_ =	shalt  }
0x3e: {  	_ =	shalt  }
0x3f: {  	_ =	shalt  }
0x40: {  	_ =	shalt  }
0x41: {  	_ =	shalt  }
0x42: {  	_ =	shalt  }
0x43: {  	_ =	shalt  }
0x44: {  	_ =	shalt  }
0x45: {  	_ =	shalt  }
0x46: {  	_ =	shalt  }
0x47: {  	_ =	shalt  }
0x48: {  	_ =	shalt  }
0x49: {  	_ =	shalt  }
0x4a: {  	_ =	shalt  }
0x4b: {  	_ =	shalt  }
0x4c: {  	_ =	shalt  }
0x4d: {  	_ =	shalt  }
0x4e: {  	_ =	shalt  }
0x4f: {  	_ =	shalt  }
0x50: {  	_ =	shalt  }
0x51: {  	_ =	shalt  }
0x52: {  	_ =	shalt  }
0x53: {  	_ =	shalt  }
0x54: {  	_ =	shalt  }
0x55: {  	_ =	shalt  }
0x56: {  	_ =	shalt  }
0x57: {  	_ =	shalt  }
0x58: {  	_ =	shalt  }
0x59: {  	_ =	shalt  }
0x5a: {  	_ =	shalt  }
0x5b: {  	_ =	shalt  }
0x5c: {  	_ =	shalt  }
0x5d: {  	_ =	shalt  }
0x5e: {  	_ =	shalt  }
0x5f: {  	_ =	shalt  }
0x60: {  	_ =	shalt  }
0x61: {  	_ =	shalt  }
0x62: {  	_ =	shalt  }
0x63: {  	_ =	shalt  }
0x64: {  	_ =	shalt  }
0x65: {  	_ =	shalt  }
0x66: {  	_ =	shalt  }
0x67: {  	_ =	shalt  }
0x68: {  	_ =	shalt  }
0x69: {  	_ =	shalt  }
0x6a: {  	_ =	shalt  }
0x6b: {  	_ =	shalt  }
0x6c: {  	_ =	shalt  }
0x6d: {  	_ =	shalt  }
0x6e: {  	_ =	shalt  }
0x6f: {  	_ =	shalt  }
0x70: {  	_ =	shalt  }
0x71: {  	_ =	shalt  }
0x72: {  	_ =	shalt  }
0x73: {  	_ =	shalt  }
0x74: {  	_ =	shalt  }
0x75: {  	_ =	shalt  }
0x76: {  	_ =	shalt  }
0x77: {  	_ =	shalt  }
0x78: {  	_ =	shalt  }
0x79: {  	_ =	shalt  }
0x7a: {  	_ =	shalt  }
0x7b: {  	_ =	shalt  }
0x7c: {  	_ =	shalt  }
0x7d: {  	_ =	shalt  }
0x7e: {  	_ =	shalt  }
0x7f: {  	_ =	shalt  }
0x80: {  	_ =	shalt  }
0x81: {  	_ =	shalt  }
0x82: {  	_ =	shalt  }
0x83: {  	_ =	shalt  }
0x84: {  	_ =	shalt  }
0x85: {  	_ =	shalt  }
0x86: {  	_ =	shalt  }
0x87: {  	_ =	shalt  }
.Lfunc_end0:
.L_simem_size_0:
called_computation.1_lowered:
.L_overlay_start_0:
0x88: {  	s2 =	sld [smem:$0x3FD9]  }
0x89: {  	s3 =	sld [smem:$0x3FFE];
	_ =	sdelay $0x1  }
0x8a: {  	s1 =	srdreg.scid  }
0x8b: {  	s0 =	sand.u32 $0x1, s1  }
0x8c: {  	s17 =	sshll.u32 s0, $0xA;
	s2 =	sadd.s32 s3, s2  }
0x8d: {  	s2 =	sadd.s32 s2, s17  }
0x8e: {  	[smem:$0x3FC6] =	sst s2  }
0x8f: {  	_ = 	snop  }
0x90: {  	s2 =	sld [smem:$0x3FC9]  }
0x91: {  	s18 =	sld [smem:$0x3FD0];
	(tm) =	ssettm $0x1  }
0x92: {  	s4 =	sld [smem:$0x3FFB];
	_ =	sdelay $0x3  }
0x93: {  	_ =	strace s4  }
0x94: {  	s4 =	sld [smem:$0x3FFC];
	_ =	sdelay $0x3  }
0x95: {  	_ =	strace s4  }
0x96: {  	s4 =	sld [smem:$0x3FFD];
	_ =	sdelay $0x3  }
0x97: {  	_ =	strace s4  }
0x98: {  	_ =	strace $0x8FFFFFFF  }
0x99: {  	s19 =	sld [smem:$0x3FDB];
	_ =	sdelay $0x1  }
0x9a: {  	s5 =	simm.s32 $_scs_section_size  }
0x9b: {  	s6 =	simm.s32 $_size__tile_overlayer_lowered;
	s7 =	simm.s32 $_tile_overlayer_lowered  }
0x9c: {  	s22 =	simm.s32 $0x1BFF;
	s21 =	sshll.u32 s7, $0x1;
	s4 =	sadd.s32 s5, s19  }
0x9d: {  	s8 =	simm.s32 $0x0;
	s20 =	sshll.u32 s6, $0x1;
	s6 =	sadd.s32 s21, s4  }
0x9e: {  	[timem:s8], [sflag:s22] =	dma.local [hbm:s6], s20  }
0x9f: {  	_ =	swait.ge [sflag:s22], s20  }
0xa0: {  	s5 =	ssub.s32 $0x0, s20;
	[sflag:s22] =	ssyncset.done $0x0  }
0xa1: {  	[sflag:s22] =	ssyncadd.s32 s5;
	_ =	sdelay $0x1  }
0xa2: {  	s23 =	simm.s32 $0x1B8B  }
0xa3: {  	_ =	swait.ge [sflag:s23], $0x1  }
0xa4: {  	[sflag:s23] =	ssyncset.done $0x0  }
0xa5: {  	s25 =	simm.s32 $0x1B8E;
	s24 =	sld [smem:$0x3FFE];
	[sflag:s23] =	ssyncadd.s32 $0xFFFFFFFF  }
0xa6: {  	s26 =	simm.s32 $execute0_lowered;
	[smem:$0x3FD2] =	sst s25  }
0xa7: {  	s6 =	sshll.u32 s26, $0x1;
	_ =	strace $0x80000049;
	[dreg:$0x1] =	wrdreg $0xFFFFFFFF  }
0xa8: {  	s28 =	simm.s32 $_size_execute0_lowered;
	s4 =	sadd.s32 s4, s6;
	[dreg:$0x0] =	wrdreg $0x0  }
0xa9: {  	s6 =	sshll.u32 s28, $0x1;
	[dreg:$0x2] =	wrdreg s4  }
0xaa: {  	[dreg:$0x3] =	wrdreg s6  }
0xab: {  	[dreg:$0x4] =	wrdreg $0xC0  }
0xac: {  	_ =	task [dreg:s8], $0x5FFFF  }
0xad: {  	[dreg:$0x1] =	wrdreg $0xFFFFFFFF  }
0xae: {  	[dreg:$0x0] =	wrdreg $0x60  }
0xaf: {  	[dreg:$0x2] =	wrdreg s2  }
0xb0: {  	[dreg:$0x3] =	wrdreg s24  }
0xb1: {  	[dreg:$0x4] =	wrdreg s18  }
0xb2: {  	[dreg:$0x5] =	wrdreg $0x9  }
0xb3: {  	_ =	task.clear_ibuf [dreg:s8], $0x6FFFF;
	_ =	strace $0x90000049  }
0xb4: {  	s29 =	simm.s32 $0x9;
	_ =	strace $0x8000004B  }
0xb5: {  	_ =	swait.ge [sflag:s29], $0x1  }
0xb6: {  	[sflag:s29] =	ssyncadd.s32 $0xFFFFFFFF  }
0xb7: {  	_ =	strace $0x9000004B  }
0xb8: {  	_ =	sfence  }
0xb9: {  	s30 =	sld [smem:$0x0];
	_ =	sdelay $0x2  }
0xba: {  	s31 =	sshll.u32 s1, $0xD;
	s1 =	sshrl.u32 s1, $0x2  }
0xbb: {  	s3 =	sand.u32 $0x4000, s31;
	s1 =	sadd.s32 s1, s30  }
0xbc: {  	s0 =	sor.u32 s3, s0;
	s1 =	sshll.u32 s1, $0x11  }
0xbd: {  	s0 =	sor.u32 s1, s0  }
0xbe: {  	s0 =	sadd.s32 $0x8F2B, s0  }
0xbf: {  	[sflag:s0] =	ssyncadd.remote.s32 $0x1  }
0xc0: {  	_ =	sfence.sel $0xFFFF  }
0xc1: {  	[dreg:$0x0] =	wrdreg $0xFFFFFFFF;
	(pc) =	sbr.abs _section_cstart, $3  }
0xc2: {  	[dreg:$0x1] =	wrdreg $0xFFFFFFFF  }
0xc3: {  	_ =	task.clear_ibuf [dreg:s8], $0x2FFFF;
	_ =	strace $0x9FFFFFFF  }
0xc4: {  	(tm) =	ssettm $0x7FFFFFFF  }
0xc5: {  	_ =	shalt  }
tec
execute0_lowered:
.L_overlay_start_1:
0x0: {  	(tag) =	ssettag $0x1  }
0x1: {  	s4 =	rddreg [dreg:$0x0]  }
0x2: {  	s3 =	rddreg [dreg:$0x1]  }
0x3: {  	s6 =	rddreg [dreg:$0x2]  }
0x4: {  	s0 =	rddreg [dreg:$0x3]  }
0x5: {  	s2 =	simm.s32 $0x0;
	s5 =	srdreg.scid;
	s1 =	stileid.u32  }
0x6: {  	s10 =	simm.s32 $0x80;
	s11 =	simm.s32 $0x6400;
	s12 =	simm.s32 $0x6500  }
0x7: {  	s13 =	simm.s32 $0x6480;
	s14 =	simm.s32 $0xA500;
	s15 =	simm.s32 $0x1  }
0x8: {  	s16 =	simm.s32 $0xE500;
	s17 =	simm.s32 $0x2;
	s18 =	simm.s32 $0x4  }
0x9: {  	s19 =	simm.s32 $0xF500;
	s20 =	simm.s32 $0x3;
	s21 =	simm.s32 $0x0  }
0xa: {  	[smem:$0x7FF] =	sst s2;
	s5 =	sand.u32 $0x1, s5;
	s8 =	sshll.u32 s1, $0xB  }
.Ltmp0:
0xb: {  	s7 =	ssub.s32 $0x2, s5;
	s5 =	sshll.u32 s5, $0xA;
	(pc) =	sbr.rel .LBB2_1-.Ltmp0, $4  }
0xc: {  	s3 =	sadd.s32 $0x800, s3;
	s9 =	sshrl.u32 s7, $0x1;
	s5 =	sor.u32 s5, s8  }
0xd: {  	_ =	strace $0x8000004A;
	s7 =	ssub.s32 s7, s9;
	s8 =	sshrl.u32 s5, $0x3  }
0xe: {  	s9 =	simm.s32 $0x5;
	s4 =	sadd.s32 s4, s8;
	s5 =	smax.u32 s7, $0x1  }
0xf: {  	s6 =	sadd.s32 s8, s6;
	s7 =	simm.s32 $0x400;
	s8 =	simm.s32 $0x8000  }
.LBB2_8:
0x10: {  	s21 =	sadd.s32 $0x1, s21  }
0x11: {  	_ =	swait.ge [sflag:s20], $0x1000;
	p0 =	sne.s32 s21, s5  }
.Ltmp1:
0x12: {  	[sflag:s20] =	ssyncset.done $0x0;
	(pc) =	sbr.rel @!p0 .LBB2_9-.Ltmp1, $4  }
0x13: {  	[sflag:s20] =	ssyncadd.s32 $0xFFFFF000  }
0x14: {  	_ =	swait.ge [sflag:s18], $0x1000  }
0x15: {  	[sflag:s18] =	ssyncset.done $0x0  }
0x16: {  	[sflag:s18] =	ssyncadd.s32 $0xFFFFF000  }
.LBB2_1:
0x17: {  	[tilespmem:s2], [sflag:$0x5] =	stream.strided.gather [hbm4b:s4+s7], $0x6400, s8, s7, $0x38;
	[tilespmem:$0x10500] =	vst v63  }
0x18: {  	_ =	swait.ge [sflag:s9], $0x6400  }
0x19: {  	[sflag:s9] =	ssyncset.done $0x0  }
0x1a: {  	[sflag:s9] =	ssyncadd.s32 $0xFFFF9C00  }
0x1b: {  	v0 =	vld [tilespmem:$0x0]  }
0x1c: {  	v1 =	vld [tilespmem:$0x10]  }
0x1d: {  	v2 =	vld [tilespmem:$0x20]  }
0x1e: {  	v3 =	vld [tilespmem:$0x30]  }
0x1f: {  	v4 =	vld [tilespmem:$0x40]  }
0x20: {  	v5 =	vld [tilespmem:$0x50];
	v0 =	vshrl.u32 v0, $0x2  }
0x21: {  	v41 =	vld [tilespmem:$0x60];
	v40 =	vshrl.u32 v1, $0x2;
	[tilespmem:$0x6400] =	vst v0  }
0x22: {  	v43 =	vld [tilespmem:$0x70];
	v42 =	vshrl.u32 v2, $0x2;
	[tilespmem:$0x6410] =	vst v40  }
0x23: {  	v44 =	vshrl.u32 v3, $0x2;
	[tilespmem:$0x6420] =	vst v42  }
0x24: {  	v45 =	vshrl.u32 v4, $0x2;
	[tilespmem:$0x6430] =	vst v44  }
0x25: {  	v46 =	vshrl.u32 v5, $0x2;
	[tilespmem:$0x6440] =	vst v45  }
0x26: {  	v47 =	vshrl.u32 v41, $0x2;
	[tilespmem:$0x6450] =	vst v46  }
0x27: {  	v48 =	vshrl.u32 v43, $0x2;
	[tilespmem:$0x6460] =	vst v47  }
0x28: {  	[tilespmem:$0x6470] =	vst v48  }
0x29: {  	[tilespmem:s12], [sflag:$0x1] =	stream.indirect.gather [hbm4b:s3+s10], $0x80, s11, s10, $0xb8;
	[tilespmem:$0x10500] =	vst v63  }
0x2a: {  	v49 =	vld [tilespmem:$0x80]  }
0x2b: {  	v50 =	vld [tilespmem:$0x90]  }
0x2c: {  	v51 =	vld [tilespmem:$0xA0]  }
0x2d: {  	v52 =	vld [tilespmem:$0xB0]  }
0x2e: {  	v53 =	vld [tilespmem:$0xC0]  }
0x2f: {  	v54 =	vld [tilespmem:$0xD0];
	v0 =	vshrl.u32 v49, $0x2  }
0x30: {  	v56 =	vld [tilespmem:$0xE0];
	v55 =	vshrl.u32 v50, $0x2;
	[tilespmem:$0x6480] =	vst v0  }
0x31: {  	v58 =	vld [tilespmem:$0xF0];
	v57 =	vshrl.u32 v51, $0x2;
	[tilespmem:$0x6490] =	vst v55  }
0x32: {  	v59 =	vshrl.u32 v52, $0x2;
	[tilespmem:$0x64A0] =	vst v57  }
0x33: {  	v60 =	vshrl.u32 v53, $0x2;
	[tilespmem:$0x64B0] =	vst v59  }
0x34: {  	v61 =	vshrl.u32 v54, $0x2;
	[tilespmem:$0x64C0] =	vst v60  }
0x35: {  	v62 =	vshrl.u32 v56, $0x2;
	[tilespmem:$0x64D0] =	vst v61  }
0x36: {  	v63 =	vshrl.u32 v58, $0x2;
	[tilespmem:$0x64E0] =	vst v62  }
0x37: {  	s22 =	simm.s32 $0x1F0;
	s23 =	simm.s32 $0x0;
	[tilespmem:$0x64F0] =	vst v63  }
0x38: {  	[tilespmem:s14], [sflag:$0x2] =	stream.indirect.gather [hbm4b:s3+s10], $0x80, s13, s10, $0xb8;
	[tilespmem:$0x10500] =	vst v63  }
.LBB2_2:
0x39: {  	_ =	swait.ge [sflag:s15], $0x4000  }
0x3a: {  	p0 =	seq.s32 s23, $0x0;
	p1 =	sne.s32 s23, $0x318000;
	[sflag:s15] =	ssyncset.done $0x0  }
.Ltmp2:
0x3b: {  	s24 =	simm.s32 @!p0 $0x3;
	[sflag:s15] =	ssyncadd.s32 $0xFFFFC000;
	(pc) =	sbr.rel @p1 .LBB2_4-.Ltmp2, $4  }
0x3c: {  	_ =	swait.ge @!p0 [sflag:s24], $0x1000  }
0x3d: {  	[sflag:s24] =	ssyncset.done @!p0 $0x0  }
0x3e: {  	[sflag:s24] =	ssyncadd.s32 @!p0 $0xFFFFF000;
	s24 =	sadd.s32 s23, s6  }
0x3f: {  	[hbm4b:s24+s7] =	stream.strided.scatter [tilespmem:s16], [sflag:$0x3], $0x1000, s8, s7, $0x38;
	[tilespmem:$0x10500] =	vst v63  }
.Ltmp3:
0x40: {  	(pc) =	sbr.rel .LBB2_5-.Ltmp3, $4  }
0x41: {  	_ = 	snop  }
0x42: {  	_ =	swait.ge [sflag:s17], $0x4000  }
0x43: {  	[sflag:s17] =	ssyncset.done $0x0  }
0x44: {  	[sflag:s17] =	ssyncadd.s32 $0xFFFFC000  }
.LBB2_4:
0x45: {  	v0 =	vld [tilespmem:s22+$0xFFFFFF10];
	_ =	sdelay $0x4  }
0x46: {  	v0 =	vshrl.u32 v0, $0x2  }
0x47: {  	[tilespmem:$0x6400] =	vst v0  }
0x48: {  	v0 =	vld [tilespmem:s22+$0xFFFFFF20];
	_ =	sdelay $0x4  }
0x49: {  	v0 =	vshrl.u32 v0, $0x2  }
0x4a: {  	[tilespmem:$0x6410] =	vst v0  }
0x4b: {  	v0 =	vld [tilespmem:s22+$0xFFFFFF30];
	_ =	sdelay $0x4  }
0x4c: {  	v0 =	vshrl.u32 v0, $0x2  }
0x4d: {  	[tilespmem:$0x6420] =	vst v0  }
0x4e: {  	v0 =	vld [tilespmem:s22+$0xFFFFFF40];
	_ =	sdelay $0x4  }
0x4f: {  	v0 =	vshrl.u32 v0, $0x2  }
0x50: {  	[tilespmem:$0x6430] =	vst v0  }
0x51: {  	v0 =	vld [tilespmem:s22+$0xFFFFFF50];
	_ =	sdelay $0x4  }
0x52: {  	v0 =	vshrl.u32 v0, $0x2  }
0x53: {  	[tilespmem:$0x6440] =	vst v0  }
0x54: {  	v0 =	vld [tilespmem:s22+$0xFFFFFF60];
	_ =	sdelay $0x4  }
0x55: {  	v0 =	vshrl.u32 v0, $0x2  }
0x56: {  	[tilespmem:$0x6450] =	vst v0  }
0x57: {  	v0 =	vld [tilespmem:s22+$0xFFFFFF70];
	_ =	sdelay $0x4  }
0x58: {  	v0 =	vshrl.u32 v0, $0x2  }
0x59: {  	[tilespmem:$0x6460] =	vst v0  }
0x5a: {  	v0 =	vld [tilespmem:s22+$0xFFFFFF80];
	_ =	sdelay $0x4  }
0x5b: {  	v0 =	vshrl.u32 v0, $0x2  }
.Ltmp4:
0x5c: {  	[tilespmem:$0x6470] =	vst v0;
	(pc) =	sbr.rel @p0 .LBB2_6-.Ltmp4, $4  }
0x5d: {  	[tilespmem:s12], [sflag:$0x1] =	stream.indirect.gather [hbm4b:s3+s10], $0x80, s11, s10, $0xb8;
	[tilespmem:$0x10500] =	vst v63  }
0x5e: {  	_ =	swait.ge [sflag:s17], $0x4000  }
0x5f: {  	[sflag:s17] =	ssyncset.done $0x0  }
0x60: {  	[sflag:s17] =	ssyncadd.s32 $0xFFFFC000  }
.LBB2_5:
0x61: {  	_ =	swait.ge [sflag:s18], $0x1000  }
0x62: {  	[sflag:s18] =	ssyncset.done $0x0  }
0x63: {  	[sflag:s18] =	ssyncadd.s32 $0xFFFFF000  }
.LBB2_6:
0x64: {  	p0 =	seq.s32 s23, $0x318000  }
.Ltmp5:
0x65: {  	_ = 	snop;
	(pc) =	sbr.rel @p0 .LBB2_8-.Ltmp5, $3  }
0x66: {  	_ =	sdelay $0x1  }
0x67: {  	s24 =	sadd.s32 $0x4000, s24  }
0x68: {  	[hbm4b:s24+s7] =	stream.strided.scatter [tilespmem:s19], [sflag:$0x4], $0x1000, s8, s7, $0x38;
	[tilespmem:$0x10500] =	vst v63  }
0x69: {  	v0 =	vld [tilespmem:s22+$0xFFFFFF90];
	_ =	sdelay $0x4  }
0x6a: {  	v0 =	vshrl.u32 v0, $0x2  }
0x6b: {  	[tilespmem:$0x6480] =	vst v0  }
0x6c: {  	v0 =	vld [tilespmem:s22+$0xFFFFFFA0];
	_ =	sdelay $0x4  }
0x6d: {  	v0 =	vshrl.u32 v0, $0x2  }
0x6e: {  	[tilespmem:$0x6490] =	vst v0  }
0x6f: {  	v0 =	vld [tilespmem:s22+$0xFFFFFFB0];
	_ =	sdelay $0x4  }
0x70: {  	v0 =	vshrl.u32 v0, $0x2  }
0x71: {  	[tilespmem:$0x64A0] =	vst v0  }
0x72: {  	v0 =	vld [tilespmem:s22+$0xFFFFFFC0];
	_ =	sdelay $0x4  }
0x73: {  	v0 =	vshrl.u32 v0, $0x2  }
0x74: {  	[tilespmem:$0x64B0] =	vst v0  }
0x75: {  	v0 =	vld [tilespmem:s22+$0xFFFFFFD0];
	_ =	sdelay $0x4  }
0x76: {  	v0 =	vshrl.u32 v0, $0x2  }
0x77: {  	[tilespmem:$0x64C0] =	vst v0  }
0x78: {  	v0 =	vld [tilespmem:s22+$0xFFFFFFE0];
	_ =	sdelay $0x4  }
0x79: {  	v0 =	vshrl.u32 v0, $0x2  }
0x7a: {  	[tilespmem:$0x64D0] =	vst v0  }
0x7b: {  	v0 =	vld [tilespmem:s22+$0xFFFFFFF0];
	_ =	sdelay $0x4  }
0x7c: {  	v0 =	vshrl.u32 v0, $0x2  }
0x7d: {  	[tilespmem:$0x64E0] =	vst v0  }
0x7e: {  	v0 =	vld [tilespmem:s22+$0x0];
	_ =	sdelay $0x2  }
.Ltmp6:
0x7f: {  	_ = 	snop;
	(pc) =	sbr.rel .LBB2_2-.Ltmp6, $4  }
0x80: {  	_ = 	snop  }
0x81: {  	v0 =	vshrl.u32 v0, $0x2  }
0x82: {  	s23 =	sadd.s32 $0x8000, s23;
	s22 =	sadd.s32 $0x100, s22;
	[tilespmem:$0x64F0] =	vst v0  }
0x83: {  	[tilespmem:s14], [sflag:$0x2] =	stream.indirect.gather [hbm4b:s3+s10], $0x80, s13, s10, $0xb8;
	[tilespmem:$0x10500] =	vst v63  }
.LBB2_9:
0x84: {  	_ =	sfence.sel $0x180000  }
0x85: {  	[bflag:$0x0] =	sbarrier.arrive $0xFFFF  }
0x86: {  	p0 =	sne.s32 s1, $0x0;
	_ =	strace $0x9000004A  }
0x87: {  	s0 =	sadd.s32 @!p0 $0x100000, s0;
	[bflag:$0x2] =	sbarrier.arrive $0xFFFF  }
0x88: {  	[sflag:s0] =	ssyncadd.tile.s32 @!p0 $0x1;
	_ =	shalt  }
.Lfunc_end2:
_tile_overlayer_lowered:
.L_overlay_start_2:
0x89: {  	(tag) =	ssettag $0x2  }
0x8a: {  	s0 =	rddreg [dreg:$0x0];
	s2 =	stileid.u32  }
0x8b: {  	s1 =	rddreg [dreg:$0x1];
	p0 =	sne.s32 s2, $0x0  }
0x8c: {  	s3 =	rddreg [dreg:$0x2];
	[bflag:$0x3] =	sbarrier.arrive $0xFFFF;
	s2 =	simm.s32 @!p0 $0x1C05  }
0x8d: {  	[timem:s3], [sflag:s2] =	dma.local @!p0 [hbm:s0], s1  }
0x8e: {  	s0 =	simm.s32 @!p0 $0x5  }
0x8f: {  	_ =	swait.ge @!p0 [sflag:s0], s1  }
0x90: {  	s1 =	ssub.s32 @!p0 $0x0, s1;
	[sflag:s0] =	ssyncset.done @!p0 $0x0  }
0x91: {  	[sflag:s0] =	ssyncadd.s32 @!p0 s1  }
0x92: {  	[bflag:$0x3] =	sbarrier.arrive $0xFFFF  }
0x93: {  	_ =	shalt  }

</sc_bundles>
